<compile_context>
chip_gen: v7x
topology: tpu7x:2x2x1
jax: 0.10.2.dev20260603
libtpu: 0.0.44.dev20260713+nightly
codegen_flags: <defaults>
</compile_context>

<pallas_src>
import jax
import jax.numpy as jnp
from jax import lax
from jax.experimental import pallas as pl
from jax.experimental.pallas import tpu as pltpu
from jax.experimental.pallas import tpu_sc as plsc

_W = 64
_NW = 32


def kernel(edge_index, edge_attr, init):
    n_edges, d_edge = edge_attr.shape
    n_nodes, d_feat = init.shape
    d_out = d_edge + 2 * d_feat
    nb = n_edges // _W
    assert n_edges % _W == 0
    assert nb // _NW >= 2
    lane = d_edge
    spf = d_feat // lane
    trips = (nb + _NW - 1) // _NW
    trips += trips % 2

    idx = edge_index.astype(jnp.int32)
    src = idx[0].reshape(nb, 1, _W)
    dst = idx[1].reshape(nb, 1, _W)
    cidx = jnp.concatenate([src, dst], axis=2)

    mesh = plsc.VectorSubcoreMesh(core_axis_name="c", subcore_axis_name="s")

    f32 = jnp.float32

    @pl.kernel(
        out_type=jax.ShapeDtypeStruct((n_edges, d_out), f32),
        mesh=mesh,
        scratch_types=[
            pltpu.VMEM((1, 2 * _W), jnp.int32),
            pltpu.VMEM((1, 2 * _W), jnp.int32),
            pltpu.VMEM((2 * _W, d_feat), f32),
            pltpu.VMEM((2 * _W, d_feat), f32),
            pltpu.VMEM((_W, d_edge), f32),
            pltpu.VMEM((_W, d_edge), f32),
            pltpu.VMEM((_W, d_out), f32),
            pltpu.VMEM((_W, d_out), f32),
        ]
        + [pltpu.SemaphoreType.DMA] * 14,
    )
    def k(init_hbm, cidx_hbm, attr_hbm, o_hbm, *sc):
        ix_ = sc[0:2]
        rg_ = sc[2:4]
        at_ = sc[4:6]
        o_ = sc[6:8]
        s_ix = sc[8:10]
        s_g = [sc[10:14], sc[14:18]]
        s_at = sc[18:20]
        s_out = sc[20:22]

        wid = lax.axis_index("s") * 2 + lax.axis_index("c")

        def issue_idx(b, p):
            pltpu.async_copy(cidx_hbm.at[b], ix_[p], s_ix[p])

        def wait_idx(p):
            pltpu.make_async_copy(cidx_hbm.at[0], ix_[p], s_ix[p]).wait()

        _GS = 4
        gw = 2 * _W // _GS

        def issue_gather(b, p):
            for g in range(_GS):
                pltpu.async_copy(
                    init_hbm.at[ix_[p].at[0, pl.ds(g * gw, gw)]],
                    rg_[p].at[pl.ds(g * gw, gw)],
                    s_g[p][g],
                )
            pltpu.async_copy(attr_hbm.at[pl.ds(b * _W, _W)], at_[p], s_at[p])

        def wait_gather(p):
            for g in range(_GS):
                pltpu.make_async_copy(
                    init_hbm.at[ix_[p].at[0, pl.ds(g * gw, gw)]],
                    rg_[p].at[pl.ds(g * gw, gw)],
                    s_g[p][g],
                ).wait()
            pltpu.make_async_copy(
                attr_hbm.at[pl.ds(0, _W)], at_[p], s_at[p]
            ).wait()

        def issue_out(b, p):
            pltpu.async_copy(o_[p], o_hbm.at[pl.ds(b * _W, _W)], s_out[p])

        def wait_out(p):
            pltpu.make_async_copy(
                o_[p], o_hbm.at[pl.ds(0, _W)], s_out[p]
            ).wait()

        def assemble(p):
            at_v, rg_v, o_v = at_[p], rg_[p], o_[p]

            @pl.loop(0, _W)
            def _(i):
                vals = [at_v[i, pl.ds(0, lane)]]
                vals += [rg_v[i, pl.ds(kk * lane, lane)] for kk in range(spf)]
                vals += [
                    rg_v[_W + i, pl.ds(kk * lane, lane)] for kk in range(spf)
                ]
                for j, v in enumerate(vals):
                    o_v[i, pl.ds(j * lane, lane)] = v

        b0 = wid
        b1 = wid + _NW

        @pl.when(b0 < nb)
        def _():
            issue_idx(b0, 0)

        @pl.when(b1 < nb)
        def _():
            issue_idx(b1, 1)

        @pl.when(b0 < nb)
        def _():
            wait_idx(0)
            issue_gather(b0, 0)

        def trip(t, p):
            b = wid + t * _NW
            bn = b + _NW
            bnn = b + 2 * _NW
            q = 1 - p

            @pl.when(b < nb)
            def _():
                @pl.when(bn < nb)
                def _():
                    wait_idx(q)
                    issue_gather(bn, q)

                wait_gather(p)

                @pl.when(bnn < nb)
                def _():
                    issue_idx(bnn, p)

                @pl.when(t >= 2)
                def _():
                    wait_out(p)

                assemble(p)
                issue_out(b, p)

        @pl.loop(0, trips, step=2)
        def _(t):
            trip(t, 0)
            trip(t + 1, 1)

        wait_out(0)
        wait_out(1)

    return k(init, cidx, edge_attr)

# --- scband reference (transcript-rebuilt; emitter-appended) ---
"""Pipeline reference for scband-combine-init-and-edges-18459769438757 (READ-ONLY COPY).

The authoritative reference and input builder live on the scoring server;
editing this copy changes nothing except your own understanding.
"""

import jax, jax.numpy as jnp
import numpy as np

N_NODES = 10000
N_EDGES = 320000
D_FEAT = 128
D_EDGE = 16

def setup_inputs(seed: int = 0) -> dict:
    key = jax.random.key(seed)
    k1, k2, k3 = jax.random.split(key, 3)
    edge_index = jax.random.randint(k1, (2, N_EDGES), 0, N_NODES, dtype=jnp.int64)
    edge_attr = jax.random.normal(k2, (N_EDGES, D_EDGE), dtype=jnp.float32)
    init = jax.random.normal(k3, (N_NODES, D_FEAT), dtype=jnp.float32)
    return {"edge_index": edge_index, "edge_attr": edge_attr, "init": init}

def reference(edge_index, edge_attr, init):
    src = jnp.take(init, edge_index[0], axis=0)
    dst = jnp.take(init, edge_index[1], axis=0)
    return jnp.concatenate((edge_attr, src, dst), axis=-1)

if __name__ == "__main__":
    import jax
    _d = setup_inputs()
    print(jax.jit(kernel)(*tuple(_d.values())))

</pallas_src>

<mosaic_0001>
#map = affine_map<(d0, d1) -> (0, 0)>
#map1 = affine_map<(d0, d1) -> (0, 0, 0)>
module attributes {stable_mosaic.version = 14 : i64} {
  func.func @k(%arg0: i32, %arg1: i32, %arg2: memref<10000x128xf32, #tpu.memory_space<hbm>>, %arg3: memref<5000x1x128xi32, #tpu.memory_space<hbm>>, %arg4: memref<320000x16xf32, #tpu.memory_space<hbm>>, %arg5: memref<320000x272xf32, #tpu.memory_space<hbm>>, %arg6: memref<1x128xi32, #tpu.memory_space<vmem>>, %arg7: memref<1x128xi32, #tpu.memory_space<vmem>>, %arg8: memref<128x128xf32, #tpu.memory_space<vmem>>, %arg9: memref<128x128xf32, #tpu.memory_space<vmem>>, %arg10: memref<64x16xf32, #tpu.memory_space<vmem>>, %arg11: memref<64x16xf32, #tpu.memory_space<vmem>>, %arg12: memref<64x272xf32, #tpu.memory_space<vmem>>, %arg13: memref<64x272xf32, #tpu.memory_space<vmem>>, %arg14: memref<!tpu.dma_semaphore, #tpu.memory_space<semaphore_mem>>, %arg15: memref<!tpu.dma_semaphore, #tpu.memory_space<semaphore_mem>>, %arg16: memref<!tpu.dma_semaphore, #tpu.memory_space<semaphore_mem>>, %arg17: memref<!tpu.dma_semaphore, #tpu.memory_space<semaphore_mem>>, %arg18: memref<!tpu.dma_semaphore, #tpu.memory_space<semaphore_mem>>, %arg19: memref<!tpu.dma_semaphore, #tpu.memory_space<semaphore_mem>>, %arg20: memref<!tpu.dma_semaphore, #tpu.memory_space<semaphore_mem>>, %arg21: memref<!tpu.dma_semaphore, #tpu.memory_space<semaphore_mem>>, %arg22: memref<!tpu.dma_semaphore, #tpu.memory_space<semaphore_mem>>, %arg23: memref<!tpu.dma_semaphore, #tpu.memory_space<semaphore_mem>>, %arg24: memref<!tpu.dma_semaphore, #tpu.memory_space<semaphore_mem>>, %arg25: memref<!tpu.dma_semaphore, #tpu.memory_space<semaphore_mem>>, %arg26: memref<!tpu.dma_semaphore, #tpu.memory_space<semaphore_mem>>, %arg27: memref<!tpu.dma_semaphore, #tpu.memory_space<semaphore_mem>>) attributes {dimension_semantics = [#tpu.dimension_semantics<core_parallel>, #tpu.dimension_semantics<subcore_parallel>], iteration_bounds = array<i64: 2, 16>, scalar_prefetch = 0 : i64, scratch_operands = 22 : i64, tpu.core_type = #tpu.core_type<sc_vector_subcore>, window_params = [{transform_indices = #map}, {transform_indices = #map1}, {transform_indices = #map}, {transform_indices = #map}]} {
    %mul3A = arith.constant 2 : i32
    %mul3A_0 = arith.muli %arg1, %mul3A : i32
    %add3A = arith.addi %mul3A_0, %arg0 : i32
    %add3A_1 = arith.constant 32 : i32
    %add3A_2 = arith.addi %add3A, %add3A_1 : i32
    %lt3A = arith.constant 5000 : i32
    %lt3A_3 = arith.cmpi slt, %add3A, %lt3A : i32
    %convert_element_type3A = arith.extui %lt3A_3 : i1 to i32
    %cond3A = arith.constant 0 : i32
    %cond3A_4 = arith.cmpi ne, %convert_element_type3A, %cond3A : i32
    scf.if %cond3A_4 {
      %dma_start3A = arith.constant 0 : i32
      %dma_start3A_30 = arith.constant 0 : i32
      %dma_start3A_31 = tpu.memref_slice %arg3[%add3A, %dma_start3A, %dma_start3A_30] : memref<5000x1x128xi32, #tpu.memory_space<hbm>> -> memref<1x1x128xi32, #tpu.memory_space<hbm>>
      %dma_start3A_32 = tpu.memref_squeeze %dma_start3A_31 : memref<1x1x128xi32, #tpu.memory_space<hbm>> -> memref<1x128xi32, #tpu.memory_space<hbm>>
      %dma_start3A_33 = arith.constant 0 : i32
      %dma_start3A_34 = arith.constant 0 : i32
      %dma_start3A_35 = tpu.memref_slice %arg3[%add3A, %dma_start3A_33, %dma_start3A_34] : memref<5000x1x128xi32, #tpu.memory_space<hbm>> -> memref<1x1x128xi32, #tpu.memory_space<hbm>>
      %dma_start3A_36 = tpu.memref_squeeze %dma_start3A_35 : memref<1x1x128xi32, #tpu.memory_space<hbm>> -> memref<1x128xi32, #tpu.memory_space<hbm>>
      tpu.enqueue_dma source(%dma_start3A_36 : memref<1x128xi32, #tpu.memory_space<hbm>>) target(%arg6 : memref<1x128xi32, #tpu.memory_space<vmem>>) target_semaphore(%arg14 : memref<!tpu.dma_semaphore, #tpu.memory_space<semaphore_mem>>)
    } else {
    }
    %lt3A_5 = arith.constant 5000 : i32
    %lt3A_6 = arith.cmpi slt, %add3A_2, %lt3A_5 : i32
    %convert_element_type3A_7 = arith.extui %lt3A_6 : i1 to i32
    %cond3A_8 = arith.constant 0 : i32
    %cond3A_9 = arith.cmpi ne, %convert_element_type3A_7, %cond3A_8 : i32
    scf.if %cond3A_9 {
      %dma_start3A = arith.constant 0 : i32
      %dma_start3A_30 = arith.constant 0 : i32
      %dma_start3A_31 = tpu.memref_slice %arg3[%add3A_2, %dma_start3A, %dma_start3A_30] : memref<5000x1x128xi32, #tpu.memory_space<hbm>> -> memref<1x1x128xi32, #tpu.memory_space<hbm>>
      %dma_start3A_32 = tpu.memref_squeeze %dma_start3A_31 : memref<1x1x128xi32, #tpu.memory_space<hbm>> -> memref<1x128xi32, #tpu.memory_space<hbm>>
      %dma_start3A_33 = arith.constant 0 : i32
      %dma_start3A_34 = arith.constant 0 : i32
      %dma_start3A_35 = tpu.memref_slice %arg3[%add3A_2, %dma_start3A_33, %dma_start3A_34] : memref<5000x1x128xi32, #tpu.memory_space<hbm>> -> memref<1x1x128xi32, #tpu.memory_space<hbm>>
      %dma_start3A_36 = tpu.memref_squeeze %dma_start3A_35 : memref<1x1x128xi32, #tpu.memory_space<hbm>> -> memref<1x128xi32, #tpu.memory_space<hbm>>
      tpu.enqueue_dma source(%dma_start3A_36 : memref<1x128xi32, #tpu.memory_space<hbm>>) target(%arg7 : memref<1x128xi32, #tpu.memory_space<vmem>>) target_semaphore(%arg15 : memref<!tpu.dma_semaphore, #tpu.memory_space<semaphore_mem>>)
    } else {
    }
    %lt3A_10 = arith.constant 5000 : i32
    %lt3A_11 = arith.cmpi slt, %add3A, %lt3A_10 : i32
    %convert_element_type3A_12 = arith.extui %lt3A_11 : i1 to i32
    %cond3A_13 = arith.constant 0 : i32
    %cond3A_14 = arith.cmpi ne, %convert_element_type3A_12, %cond3A_13 : i32
    scf.if %cond3A_14 {
      %dma_wait3A_30 = arith.constant 0 : i32
      %dma_wait3A_31 = arith.constant 0 : i32
      %dma_wait3A_32 = arith.constant 0 : i32
      %dma_wait3A_33 = tpu.memref_slice %arg3[%dma_wait3A_30, %dma_wait3A_31, %dma_wait3A_32] : memref<5000x1x128xi32, #tpu.memory_space<hbm>> -> memref<1x1x128xi32, #tpu.memory_space<hbm>>
      %dma_wait3A_34 = tpu.memref_squeeze %dma_wait3A_33 : memref<1x1x128xi32, #tpu.memory_space<hbm>> -> memref<1x128xi32, #tpu.memory_space<hbm>>
      %dma_wait3A_35 = arith.constant 0 : i32
      %dma_wait3A_36 = arith.constant 0 : i32
      %dma_wait3A_37 = tpu.memref_slice %arg3[%dma_wait3A_30, %dma_wait3A_35, %dma_wait3A_36] : memref<5000x1x128xi32, #tpu.memory_space<hbm>> -> memref<1x1x128xi32, #tpu.memory_space<hbm>>
      %dma_wait3A_38 = tpu.memref_squeeze %dma_wait3A_37 : memref<1x1x128xi32, #tpu.memory_space<hbm>> -> memref<1x128xi32, #tpu.memory_space<hbm>>
      tpu.wait_dma2 semaphore(%arg14 : memref<!tpu.dma_semaphore, #tpu.memory_space<semaphore_mem>>) src(%dma_wait3A_38 : memref<1x128xi32, #tpu.memory_space<hbm>>) dst(%arg6 : memref<1x128xi32, #tpu.memory_space<vmem>>)
      %dma_start3A = arith.constant 0 : i32
      %dma_start3A_39 = arith.constant 0 : i32
      %dma_start3A_40 = arith.constant 0 : i32
      %dma_start3A_41 = tpu.memref_slice %arg8[%dma_start3A_39, %dma_start3A_40] : memref<128x128xf32, #tpu.memory_space<vmem>> -> memref<32x128xf32, #tpu.memory_space<vmem>>
      %dma_start3A_42 = arith.constant 0 : i32
      %dma_start3A_43 = tpu.memref_slice %arg6[%dma_start3A, %dma_start3A_42] : memref<1x128xi32, #tpu.memory_space<vmem>> -> memref<1x32xi32, #tpu.memory_space<vmem>>
      %dma_start3A_44 = tpu.memref_squeeze %dma_start3A_43 : memref<1x32xi32, #tpu.memory_space<vmem>> -> memref<32xi32, #tpu.memory_space<vmem>>
      %dma_start3A_45 = arith.constant 0 : i32
      %dma_start3A_46 = arith.constant 0 : i32
      %dma_start3A_47 = tpu.memref_slice %arg2[%dma_start3A_45, %dma_start3A_46] : memref<10000x128xf32, #tpu.memory_space<hbm>> -> memref<10000x128xf32, #tpu.memory_space<hbm>>
      tpu.enqueue_indirect_dma source(%dma_start3A_47 : memref<10000x128xf32, #tpu.memory_space<hbm>>) target(%dma_start3A_41 : memref<32x128xf32, #tpu.memory_space<vmem>>) offsets(%dma_start3A_44 : memref<32xi32, #tpu.memory_space<vmem>>) semaphore(%arg16 : memref<!tpu.dma_semaphore, #tpu.memory_space<semaphore_mem>>)
      %dma_start3A_48 = arith.constant 0 : i32
      %dma_start3A_49 = arith.constant 32 : i32
      %dma_start3A_50 = arith.constant 0 : i32
      %dma_start3A_51 = tpu.memref_slice %arg8[%dma_start3A_49, %dma_start3A_50] : memref<128x128xf32, #tpu.memory_space<vmem>> -> memref<32x128xf32, #tpu.memory_space<vmem>>
      %dma_start3A_52 = arith.constant 32 : i32
      %dma_start3A_53 = tpu.memref_slice %arg6[%dma_start3A_48, %dma_start3A_52] : memref<1x128xi32, #tpu.memory_space<vmem>> -> memref<1x32xi32, #tpu.memory_space<vmem>>
      %dma_start3A_54 = tpu.memref_squeeze %dma_start3A_53 : memref<1x32xi32, #tpu.memory_space<vmem>> -> memref<32xi32, #tpu.memory_space<vmem>>
      %dma_start3A_55 = arith.constant 0 : i32
      %dma_start3A_56 = arith.constant 0 : i32
      %dma_start3A_57 = tpu.memref_slice %arg2[%dma_start3A_55, %dma_start3A_56] : memref<10000x128xf32, #tpu.memory_space<hbm>> -> memref<10000x128xf32, #tpu.memory_space<hbm>>
      tpu.enqueue_indirect_dma source(%dma_start3A_57 : memref<10000x128xf32, #tpu.memory_space<hbm>>) target(%dma_start3A_51 : memref<32x128xf32, #tpu.memory_space<vmem>>) offsets(%dma_start3A_54 : memref<32xi32, #tpu.memory_space<vmem>>) semaphore(%arg17 : memref<!tpu.dma_semaphore, #tpu.memory_space<semaphore_mem>>)
      %dma_start3A_58 = arith.constant 0 : i32
      %dma_start3A_59 = arith.constant 64 : i32
      %dma_start3A_60 = arith.constant 0 : i32
      %dma_start3A_61 = tpu.memref_slice %arg8[%dma_start3A_59, %dma_start3A_60] : memref<128x128xf32, #tpu.memory_space<vmem>> -> memref<32x128xf32, #tpu.memory_space<vmem>>
      %dma_start3A_62 = arith.constant 64 : i32
      %dma_start3A_63 = tpu.memref_slice %arg6[%dma_start3A_58, %dma_start3A_62] : memref<1x128xi32, #tpu.memory_space<vmem>> -> memref<1x32xi32, #tpu.memory_space<vmem>>
      %dma_start3A_64 = tpu.memref_squeeze %dma_start3A_63 : memref<1x32xi32, #tpu.memory_space<vmem>> -> memref<32xi32, #tpu.memory_space<vmem>>
      %dma_start3A_65 = arith.constant 0 : i32
      %dma_start3A_66 = arith.constant 0 : i32
      %dma_start3A_67 = tpu.memref_slice %arg2[%dma_start3A_65, %dma_start3A_66] : memref<10000x128xf32, #tpu.memory_space<hbm>> -> memref<10000x128xf32, #tpu.memory_space<hbm>>
      tpu.enqueue_indirect_dma source(%dma_start3A_67 : memref<10000x128xf32, #tpu.memory_space<hbm>>) target(%dma_start3A_61 : memref<32x128xf32, #tpu.memory_space<vmem>>) offsets(%dma_start3A_64 : memref<32xi32, #tpu.memory_space<vmem>>) semaphore(%arg18 : memref<!tpu.dma_semaphore, #tpu.memory_space<semaphore_mem>>)
      %dma_start3A_68 = arith.constant 0 : i32
      %dma_start3A_69 = arith.constant 96 : i32
      %dma_start3A_70 = arith.constant 0 : i32
      %dma_start3A_71 = tpu.memref_slice %arg8[%dma_start3A_69, %dma_start3A_70] : memref<128x128xf32, #tpu.memory_space<vmem>> -> memref<32x128xf32, #tpu.memory_space<vmem>>
      %dma_start3A_72 = arith.constant 96 : i32
      %dma_start3A_73 = tpu.memref_slice %arg6[%dma_start3A_68, %dma_start3A_72] : memref<1x128xi32, #tpu.memory_space<vmem>> -> memref<1x32xi32, #tpu.memory_space<vmem>>
      %dma_start3A_74 = tpu.memref_squeeze %dma_start3A_73 : memref<1x32xi32, #tpu.memory_space<vmem>> -> memref<32xi32, #tpu.memory_space<vmem>>
      %dma_start3A_75 = arith.constant 0 : i32
      %dma_start3A_76 = arith.constant 0 : i32
      %dma_start3A_77 = tpu.memref_slice %arg2[%dma_start3A_75, %dma_start3A_76] : memref<10000x128xf32, #tpu.memory_space<hbm>> -> memref<10000x128xf32, #tpu.memory_space<hbm>>
      tpu.enqueue_indirect_dma source(%dma_start3A_77 : memref<10000x128xf32, #tpu.memory_space<hbm>>) target(%dma_start3A_71 : memref<32x128xf32, #tpu.memory_space<vmem>>) offsets(%dma_start3A_74 : memref<32xi32, #tpu.memory_space<vmem>>) semaphore(%arg19 : memref<!tpu.dma_semaphore, #tpu.memory_space<semaphore_mem>>)
      %mul3A_78 = arith.constant 64 : i32
      %mul3A_79 = arith.muli %add3A, %mul3A_78 : i32
      %dma_start3A_80 = arith.constant 0 : i32
      %dma_start3A_81 = tpu.memref_slice %arg4[%mul3A_79, %dma_start3A_80] : memref<320000x16xf32, #tpu.memory_space<hbm>> -> memref<64x16xf32, #tpu.memory_space<hbm>>
      %dma_start3A_82 = arith.constant 0 : i32
      %dma_start3A_83 = tpu.memref_slice %arg4[%mul3A_79, %dma_start3A_82] : memref<320000x16xf32, #tpu.memory_space<hbm>> -> memref<64x16xf32, #tpu.memory_space<hbm>>
      tpu.enqueue_dma source(%dma_start3A_83 : memref<64x16xf32, #tpu.memory_space<hbm>>) target(%arg10 : memref<64x16xf32, #tpu.memory_space<vmem>>) target_semaphore(%arg24 : memref<!tpu.dma_semaphore, #tpu.memory_space<semaphore_mem>>)
    } else {
    }
    %scan3A = arith.constant 0 : i32
    %scan3A_15 = arith.constant 79 : i32
    %scan3A_16 = arith.addi %scan3A, %scan3A_15 : i32
    %scan3A_17 = arith.constant 1 : i32
    scf.for %scan3A_30 = %scan3A to %scan3A_16 step %scan3A_17  : i32 {
      %mul3A_31 = arith.constant 2 : i32
      %mul3A_32 = arith.muli %scan3A_30, %mul3A_31 : i32
      %add3A_33 = arith.constant 0 : i32
      %add3A_34 = arith.addi %add3A_33, %mul3A_32 : i32
      %mul3A_35 = arith.constant 32 : i32
      %mul3A_36 = arith.muli %add3A_34, %mul3A_35 : i32
      %add3A_37 = arith.addi %add3A, %mul3A_36 : i32
      %add3A_38 = arith.constant 32 : i32
      %add3A_39 = arith.addi %add3A_37, %add3A_38 : i32
      %add3A_40 = arith.constant 64 : i32
      %add3A_41 = arith.addi %add3A_37, %add3A_40 : i32
      %lt3A_42 = arith.constant 5000 : i32
      %lt3A_43 = arith.cmpi slt, %add3A_37, %lt3A_42 : i32
      %convert_element_type3A_44 = arith.extui %lt3A_43 : i1 to i32
      %cond3A_45 = arith.constant 0 : i32
      %cond3A_46 = arith.cmpi ne, %convert_element_type3A_44, %cond3A_45 : i32
      scf.if %cond3A_46 {
        %lt3A_61 = arith.constant 5000 : i32
        %lt3A_62 = arith.cmpi slt, %add3A_39, %lt3A_61 : i32
        %convert_element_type3A_63 = arith.extui %lt3A_62 : i1 to i32
        %cond3A_64 = arith.constant 0 : i32
        %cond3A_65 = arith.cmpi ne, %convert_element_type3A_63, %cond3A_64 : i32
        scf.if %cond3A_65 {
          %dma_wait3A_131 = arith.constant 0 : i32
          %dma_wait3A_132 = arith.constant 0 : i32
          %dma_wait3A_133 = arith.constant 0 : i32
          %dma_wait3A_134 = tpu.memref_slice %arg3[%dma_wait3A_131, %dma_wait3A_132, %dma_wait3A_133] : memref<5000x1x128xi32, #tpu.memory_space<hbm>> -> memref<1x1x128xi32, #tpu.memory_space<hbm>>
          %dma_wait3A_135 = tpu.memref_squeeze %dma_wait3A_134 : memref<1x1x128xi32, #tpu.memory_space<hbm>> -> memref<1x128xi32, #tpu.memory_space<hbm>>
          %dma_wait3A_136 = arith.constant 0 : i32
          %dma_wait3A_137 = arith.constant 0 : i32
          %dma_wait3A_138 = tpu.memref_slice %arg3[%dma_wait3A_131, %dma_wait3A_136, %dma_wait3A_137] : memref<5000x1x128xi32, #tpu.memory_space<hbm>> -> memref<1x1x128xi32, #tpu.memory_space<hbm>>
          %dma_wait3A_139 = tpu.memref_squeeze %dma_wait3A_138 : memref<1x1x128xi32, #tpu.memory_space<hbm>> -> memref<1x128xi32, #tpu.memory_space<hbm>>
          tpu.wait_dma2 semaphore(%arg15 : memref<!tpu.dma_semaphore, #tpu.memory_space<semaphore_mem>>) src(%dma_wait3A_139 : memref<1x128xi32, #tpu.memory_space<hbm>>) dst(%arg7 : memref<1x128xi32, #tpu.memory_space<vmem>>)
          %dma_start3A_140 = arith.constant 0 : i32
          %dma_start3A_141 = arith.constant 0 : i32
          %dma_start3A_142 = arith.constant 0 : i32
          %dma_start3A_143 = tpu.memref_slice %arg9[%dma_start3A_141, %dma_start3A_142] : memref<128x128xf32, #tpu.memory_space<vmem>> -> memref<32x128xf32, #tpu.memory_space<vmem>>
          %dma_start3A_144 = arith.constant 0 : i32
          %dma_start3A_145 = tpu.memref_slice %arg7[%dma_start3A_140, %dma_start3A_144] : memref<1x128xi32, #tpu.memory_space<vmem>> -> memref<1x32xi32, #tpu.memory_space<vmem>>
          %dma_start3A_146 = tpu.memref_squeeze %dma_start3A_145 : memref<1x32xi32, #tpu.memory_space<vmem>> -> memref<32xi32, #tpu.memory_space<vmem>>
          %dma_start3A_147 = arith.constant 0 : i32
          %dma_start3A_148 = arith.constant 0 : i32
          %dma_start3A_149 = tpu.memref_slice %arg2[%dma_start3A_147, %dma_start3A_148] : memref<10000x128xf32, #tpu.memory_space<hbm>> -> memref<10000x128xf32, #tpu.memory_space<hbm>>
          tpu.enqueue_indirect_dma source(%dma_start3A_149 : memref<10000x128xf32, #tpu.memory_space<hbm>>) target(%dma_start3A_143 : memref<32x128xf32, #tpu.memory_space<vmem>>) offsets(%dma_start3A_146 : memref<32xi32, #tpu.memory_space<vmem>>) semaphore(%arg20 : memref<!tpu.dma_semaphore, #tpu.memory_space<semaphore_mem>>)
          %dma_start3A_150 = arith.constant 0 : i32
          %dma_start3A_151 = arith.constant 32 : i32
          %dma_start3A_152 = arith.constant 0 : i32
          %dma_start3A_153 = tpu.memref_slice %arg9[%dma_start3A_151, %dma_start3A_152] : memref<128x128xf32, #tpu.memory_space<vmem>> -> memref<32x128xf32, #tpu.memory_space<vmem>>
          %dma_start3A_154 = arith.constant 32 : i32
          %dma_start3A_155 = tpu.memref_slice %arg7[%dma_start3A_150, %dma_start3A_154] : memref<1x128xi32, #tpu.memory_space<vmem>> -> memref<1x32xi32, #tpu.memory_space<vmem>>
          %dma_start3A_156 = tpu.memref_squeeze %dma_start3A_155 : memref<1x32xi32, #tpu.memory_space<vmem>> -> memref<32xi32, #tpu.memory_space<vmem>>
          %dma_start3A_157 = arith.constant 0 : i32
          %dma_start3A_158 = arith.constant 0 : i32
          %dma_start3A_159 = tpu.memref_slice %arg2[%dma_start3A_157, %dma_start3A_158] : memref<10000x128xf32, #tpu.memory_space<hbm>> -> memref<10000x128xf32, #tpu.memory_space<hbm>>
          tpu.enqueue_indirect_dma source(%dma_start3A_159 : memref<10000x128xf32, #tpu.memory_space<hbm>>) target(%dma_start3A_153 : memref<32x128xf32, #tpu.memory_space<vmem>>) offsets(%dma_start3A_156 : memref<32xi32, #tpu.memory_space<vmem>>) semaphore(%arg21 : memref<!tpu.dma_semaphore, #tpu.memory_space<semaphore_mem>>)
          %dma_start3A_160 = arith.constant 0 : i32
          %dma_start3A_161 = arith.constant 64 : i32
          %dma_start3A_162 = arith.constant 0 : i32
          %dma_start3A_163 = tpu.memref_slice %arg9[%dma_start3A_161, %dma_start3A_162] : memref<128x128xf32, #tpu.memory_space<vmem>> -> memref<32x128xf32, #tpu.memory_space<vmem>>
          %dma_start3A_164 = arith.constant 64 : i32
          %dma_start3A_165 = tpu.memref_slice %arg7[%dma_start3A_160, %dma_start3A_164] : memref<1x128xi32, #tpu.memory_space<vmem>> -> memref<1x32xi32, #tpu.memory_space<vmem>>
          %dma_start3A_166 = tpu.memref_squeeze %dma_start3A_165 : memref<1x32xi32, #tpu.memory_space<vmem>> -> memref<32xi32, #tpu.memory_space<vmem>>
          %dma_start3A_167 = arith.constant 0 : i32
          %dma_start3A_168 = arith.constant 0 : i32
          %dma_start3A_169 = tpu.memref_slice %arg2[%dma_start3A_167, %dma_start3A_168] : memref<10000x128xf32, #tpu.memory_space<hbm>> -> memref<10000x128xf32, #tpu.memory_space<hbm>>
          tpu.enqueue_indirect_dma source(%dma_start3A_169 : memref<10000x128xf32, #tpu.memory_space<hbm>>) target(%dma_start3A_163 : memref<32x128xf32, #tpu.memory_space<vmem>>) offsets(%dma_start3A_166 : memref<32xi32, #tpu.memory_space<vmem>>) semaphore(%arg22 : memref<!tpu.dma_semaphore, #tpu.memory_space<semaphore_mem>>)
          %dma_start3A_170 = arith.constant 0 : i32
          %dma_start3A_171 = arith.constant 96 : i32
          %dma_start3A_172 = arith.constant 0 : i32
          %dma_start3A_173 = tpu.memref_slice %arg9[%dma_start3A_171, %dma_start3A_172] : memref<128x128xf32, #tpu.memory_space<vmem>> -> memref<32x128xf32, #tpu.memory_space<vmem>>
          %dma_start3A_174 = arith.constant 96 : i32
          %dma_start3A_175 = tpu.memref_slice %arg7[%dma_start3A_170, %dma_start3A_174] : memref<1x128xi32, #tpu.memory_space<vmem>> -> memref<1x32xi32, #tpu.memory_space<vmem>>
          %dma_start3A_176 = tpu.memref_squeeze %dma_start3A_175 : memref<1x32xi32, #tpu.memory_space<vmem>> -> memref<32xi32, #tpu.memory_space<vmem>>
          %dma_start3A_177 = arith.constant 0 : i32
          %dma_start3A_178 = arith.constant 0 : i32
          %dma_start3A_179 = tpu.memref_slice %arg2[%dma_start3A_177, %dma_start3A_178] : memref<10000x128xf32, #tpu.memory_space<hbm>> -> memref<10000x128xf32, #tpu.memory_space<hbm>>
          tpu.enqueue_indirect_dma source(%dma_start3A_179 : memref<10000x128xf32, #tpu.memory_space<hbm>>) target(%dma_start3A_173 : memref<32x128xf32, #tpu.memory_space<vmem>>) offsets(%dma_start3A_176 : memref<32xi32, #tpu.memory_space<vmem>>) semaphore(%arg23 : memref<!tpu.dma_semaphore, #tpu.memory_space<semaphore_mem>>)
          %mul3A_180 = arith.constant 64 : i32
          %mul3A_181 = arith.muli %add3A_39, %mul3A_180 : i32
          %dma_start3A_182 = arith.constant 0 : i32
          %dma_start3A_183 = tpu.memref_slice %arg4[%mul3A_181, %dma_start3A_182] : memref<320000x16xf32, #tpu.memory_space<hbm>> -> memref<64x16xf32, #tpu.memory_space<hbm>>
          %dma_start3A_184 = arith.constant 0 : i32
          %dma_start3A_185 = tpu.memref_slice %arg4[%mul3A_181, %dma_start3A_184] : memref<320000x16xf32, #tpu.memory_space<hbm>> -> memref<64x16xf32, #tpu.memory_space<hbm>>
          tpu.enqueue_dma source(%dma_start3A_185 : memref<64x16xf32, #tpu.memory_space<hbm>>) target(%arg11 : memref<64x16xf32, #tpu.memory_space<vmem>>) target_semaphore(%arg25 : memref<!tpu.dma_semaphore, #tpu.memory_space<semaphore_mem>>)
        } else {
        }
        %dma_wait3A_66 = arith.constant 0 : i32
        %dma_wait3A_67 = arith.constant 0 : i32
        %dma_wait3A_68 = arith.constant 0 : i32
        %dma_wait3A_69 = tpu.memref_slice %arg8[%dma_wait3A_67, %dma_wait3A_68] : memref<128x128xf32, #tpu.memory_space<vmem>> -> memref<32x128xf32, #tpu.memory_space<vmem>>
        %dma_wait3A_70 = arith.constant 0 : i32
        %dma_wait3A_71 = tpu.memref_slice %arg6[%dma_wait3A_66, %dma_wait3A_70] : memref<1x128xi32, #tpu.memory_space<vmem>> -> memref<1x32xi32, #tpu.memory_space<vmem>>
        %dma_wait3A_72 = tpu.memref_squeeze %dma_wait3A_71 : memref<1x32xi32, #tpu.memory_space<vmem>> -> memref<32xi32, #tpu.memory_space<vmem>>
        %dma_wait3A_73 = arith.constant 0 : i32
        %dma_wait3A_74 = arith.constant 0 : i32
        %dma_wait3A_75 = tpu.memref_slice %arg2[%dma_wait3A_73, %dma_wait3A_74] : memref<10000x128xf32, #tpu.memory_space<hbm>> -> memref<10000x128xf32, #tpu.memory_space<hbm>>
        tpu.wait_indirect_dma semaphore(%arg16 : memref<!tpu.dma_semaphore, #tpu.memory_space<semaphore_mem>>) src(%dma_wait3A_75 : memref<10000x128xf32, #tpu.memory_space<hbm>>) dst(%dma_wait3A_69 : memref<32x128xf32, #tpu.memory_space<vmem>>)
        %dma_wait3A_76 = arith.constant 0 : i32
        %dma_wait3A_77 = arith.constant 32 : i32
        %dma_wait3A_78 = arith.constant 0 : i32
        %dma_wait3A_79 = tpu.memref_slice %arg8[%dma_wait3A_77, %dma_wait3A_78] : memref<128x128xf32, #tpu.memory_space<vmem>> -> memref<32x128xf32, #tpu.memory_space<vmem>>
        %dma_wait3A_80 = arith.constant 32 : i32
        %dma_wait3A_81 = tpu.memref_slice %arg6[%dma_wait3A_76, %dma_wait3A_80] : memref<1x128xi32, #tpu.memory_space<vmem>> -> memref<1x32xi32, #tpu.memory_space<vmem>>
        %dma_wait3A_82 = tpu.memref_squeeze %dma_wait3A_81 : memref<1x32xi32, #tpu.memory_space<vmem>> -> memref<32xi32, #tpu.memory_space<vmem>>
        %dma_wait3A_83 = arith.constant 0 : i32
        %dma_wait3A_84 = arith.constant 0 : i32
        %dma_wait3A_85 = tpu.memref_slice %arg2[%dma_wait3A_83, %dma_wait3A_84] : memref<10000x128xf32, #tpu.memory_space<hbm>> -> memref<10000x128xf32, #tpu.memory_space<hbm>>
        tpu.wait_indirect_dma semaphore(%arg17 : memref<!tpu.dma_semaphore, #tpu.memory_space<semaphore_mem>>) src(%dma_wait3A_85 : memref<10000x128xf32, #tpu.memory_space<hbm>>) dst(%dma_wait3A_79 : memref<32x128xf32, #tpu.memory_space<vmem>>)
        %dma_wait3A_86 = arith.constant 0 : i32
        %dma_wait3A_87 = arith.constant 64 : i32
        %dma_wait3A_88 = arith.constant 0 : i32
        %dma_wait3A_89 = tpu.memref_slice %arg8[%dma_wait3A_87, %dma_wait3A_88] : memref<128x128xf32, #tpu.memory_space<vmem>> -> memref<32x128xf32, #tpu.memory_space<vmem>>
        %dma_wait3A_90 = arith.constant 64 : i32
        %dma_wait3A_91 = tpu.memref_slice %arg6[%dma_wait3A_86, %dma_wait3A_90] : memref<1x128xi32, #tpu.memory_space<vmem>> -> memref<1x32xi32, #tpu.memory_space<vmem>>
        %dma_wait3A_92 = tpu.memref_squeeze %dma_wait3A_91 : memref<1x32xi32, #tpu.memory_space<vmem>> -> memref<32xi32, #tpu.memory_space<vmem>>
        %dma_wait3A_93 = arith.constant 0 : i32
        %dma_wait3A_94 = arith.constant 0 : i32
        %dma_wait3A_95 = tpu.memref_slice %arg2[%dma_wait3A_93, %dma_wait3A_94] : memref<10000x128xf32, #tpu.memory_space<hbm>> -> memref<10000x128xf32, #tpu.memory_space<hbm>>
        tpu.wait_indirect_dma semaphore(%arg18 : memref<!tpu.dma_semaphore, #tpu.memory_space<semaphore_mem>>) src(%dma_wait3A_95 : memref<10000x128xf32, #tpu.memory_space<hbm>>) dst(%dma_wait3A_89 : memref<32x128xf32, #tpu.memory_space<vmem>>)
        %dma_wait3A_96 = arith.constant 0 : i32
        %dma_wait3A_97 = arith.constant 96 : i32
        %dma_wait3A_98 = arith.constant 0 : i32
        %dma_wait3A_99 = tpu.memref_slice %arg8[%dma_wait3A_97, %dma_wait3A_98] : memref<128x128xf32, #tpu.memory_space<vmem>> -> memref<32x128xf32, #tpu.memory_space<vmem>>
        %dma_wait3A_100 = arith.constant 96 : i32
        %dma_wait3A_101 = tpu.memref_slice %arg6[%dma_wait3A_96, %dma_wait3A_100] : memref<1x128xi32, #tpu.memory_space<vmem>> -> memref<1x32xi32, #tpu.memory_space<vmem>>
        %dma_wait3A_102 = tpu.memref_squeeze %dma_wait3A_101 : memref<1x32xi32, #tpu.memory_space<vmem>> -> memref<32xi32, #tpu.memory_space<vmem>>
        %dma_wait3A_103 = arith.constant 0 : i32
        %dma_wait3A_104 = arith.constant 0 : i32
        %dma_wait3A_105 = tpu.memref_slice %arg2[%dma_wait3A_103, %dma_wait3A_104] : memref<10000x128xf32, #tpu.memory_space<hbm>> -> memref<10000x128xf32, #tpu.memory_space<hbm>>
        tpu.wait_indirect_dma semaphore(%arg19 : memref<!tpu.dma_semaphore, #tpu.memory_space<semaphore_mem>>) src(%dma_wait3A_105 : memref<10000x128xf32, #tpu.memory_space<hbm>>) dst(%dma_wait3A_99 : memref<32x128xf32, #tpu.memory_space<vmem>>)
        %dma_wait3A_106 = arith.constant 0 : i32
        %dma_wait3A_107 = arith.constant 0 : i32
        %dma_wait3A_108 = tpu.memref_slice %arg4[%dma_wait3A_106, %dma_wait3A_107] : memref<320000x16xf32, #tpu.memory_space<hbm>> -> memref<64x16xf32, #tpu.memory_space<hbm>>
        %dma_wait3A_109 = arith.constant 0 : i32
        %dma_wait3A_110 = arith.constant 0 : i32
        %dma_wait3A_111 = tpu.memref_slice %arg4[%dma_wait3A_109, %dma_wait3A_110] : memref<320000x16xf32, #tpu.memory_space<hbm>> -> memref<64x16xf32, #tpu.memory_space<hbm>>
        tpu.wait_dma2 semaphore(%arg24 : memref<!tpu.dma_semaphore, #tpu.memory_space<semaphore_mem>>) src(%dma_wait3A_111 : memref<64x16xf32, #tpu.memory_space<hbm>>) dst(%arg10 : memref<64x16xf32, #tpu.memory_space<vmem>>)
        %lt3A_112 = arith.constant 5000 : i32
        %lt3A_113 = arith.cmpi slt, %add3A_41, %lt3A_112 : i32
        %convert_element_type3A_114 = arith.extui %lt3A_113 : i1 to i32
        %cond3A_115 = arith.constant 0 : i32
        %cond3A_116 = arith.cmpi ne, %convert_element_type3A_114, %cond3A_115 : i32
        scf.if %cond3A_116 {
          %dma_start3A_131 = arith.constant 0 : i32
          %dma_start3A_132 = arith.constant 0 : i32
          %dma_start3A_133 = tpu.memref_slice %arg3[%add3A_41, %dma_start3A_131, %dma_start3A_132] : memref<5000x1x128xi32, #tpu.memory_space<hbm>> -> memref<1x1x128xi32, #tpu.memory_space<hbm>>
          %dma_start3A_134 = tpu.memref_squeeze %dma_start3A_133 : memref<1x1x128xi32, #tpu.memory_space<hbm>> -> memref<1x128xi32, #tpu.memory_space<hbm>>
          %dma_start3A_135 = arith.constant 0 : i32
          %dma_start3A_136 = arith.constant 0 : i32
          %dma_start3A_137 = tpu.memref_slice %arg3[%add3A_41, %dma_start3A_135, %dma_start3A_136] : memref<5000x1x128xi32, #tpu.memory_space<hbm>> -> memref<1x1x128xi32, #tpu.memory_space<hbm>>
          %dma_start3A_138 = tpu.memref_squeeze %dma_start3A_137 : memref<1x1x128xi32, #tpu.memory_space<hbm>> -> memref<1x128xi32, #tpu.memory_space<hbm>>
          tpu.enqueue_dma source(%dma_start3A_138 : memref<1x128xi32, #tpu.memory_space<hbm>>) target(%arg6 : memref<1x128xi32, #tpu.memory_space<vmem>>) target_semaphore(%arg14 : memref<!tpu.dma_semaphore, #tpu.memory_space<semaphore_mem>>)
        } else {
        }
        %ge3A = arith.constant 2 : i32
        %ge3A_117 = arith.cmpi sge, %add3A_34, %ge3A : i32
        %convert_element_type3A_118 = arith.extui %ge3A_117 : i1 to i32
        %cond3A_119 = arith.constant 0 : i32
        %cond3A_120 = arith.cmpi ne, %convert_element_type3A_118, %cond3A_119 : i32
        scf.if %cond3A_120 {
          %dma_wait3A_131 = arith.constant 0 : i32
          %dma_wait3A_132 = arith.constant 0 : i32
          %dma_wait3A_133 = tpu.memref_slice %arg5[%dma_wait3A_131, %dma_wait3A_132] : memref<320000x272xf32, #tpu.memory_space<hbm>> -> memref<64x272xf32, #tpu.memory_space<hbm>>
          %dma_wait3A_134 = arith.constant 0 : i32
          %dma_wait3A_135 = arith.constant 0 : i32
          %dma_wait3A_136 = tpu.memref_slice %arg5[%dma_wait3A_134, %dma_wait3A_135] : memref<320000x272xf32, #tpu.memory_space<hbm>> -> memref<64x272xf32, #tpu.memory_space<hbm>>
          tpu.wait_dma2 semaphore(%arg26 : memref<!tpu.dma_semaphore, #tpu.memory_space<semaphore_mem>>) src(%arg12 : memref<64x272xf32, #tpu.memory_space<vmem>>) dst(%dma_wait3A_136 : memref<64x272xf32, #tpu.memory_space<hbm>>)
        } else {
        }
        %scan3A_121 = arith.constant 0 : i32
        %scan3A_122 = arith.constant 64 : i32
        %scan3A_123 = arith.addi %scan3A_121, %scan3A_122 : i32
        %scan3A_124 = arith.constant 1 : i32
        scf.for %scan3A_131 = %scan3A_121 to %scan3A_123 step %scan3A_124  : i32 {
          %mul3A_132 = arith.constant 1 : i32
          %mul3A_133 = arith.muli %scan3A_131, %mul3A_132 : i32
          %add3A_134 = arith.constant 0 : i32
          %add3A_135 = arith.addi %add3A_134, %mul3A_133 : i32
          %get3A = arith.index_cast %add3A_135 : i32 to index
          %get3A_136 = arith.constant 0 : index
          %get3A_137 = tpu.vector_load %arg10[%get3A, %get3A_136] {strides = array<i32>} : memref<64x16xf32, #tpu.memory_space<vmem>>, vector<1x16xf32>,
          %get3A_138 = vector.shape_cast %get3A_137 : vector<1x16xf32> to vector<16xf32>
          %get3A_139 = arith.index_cast %add3A_135 : i32 to index
          %get3A_140 = arith.constant 0 : index
          %get3A_141 = tpu.vector_load %arg8[%get3A_139, %get3A_140] {strides = array<i32>} : memref<128x128xf32, #tpu.memory_space<vmem>>, vector<1x16xf32>,
          %get3A_142 = vector.shape_cast %get3A_141 : vector<1x16xf32> to vector<16xf32>
          %get3A_143 = arith.index_cast %add3A_135 : i32 to index
          %get3A_144 = arith.constant 16 : index
          %get3A_145 = tpu.vector_load %arg8[%get3A_143, %get3A_144] {strides = array<i32>} : memref<128x128xf32, #tpu.memory_space<vmem>>, vector<1x16xf32>,
          %get3A_146 = vector.shape_cast %get3A_145 : vector<1x16xf32> to vector<16xf32>
          %get3A_147 = arith.index_cast %add3A_135 : i32 to index
          %get3A_148 = arith.constant 32 : index
          %get3A_149 = tpu.vector_load %arg8[%get3A_147, %get3A_148] {strides = array<i32>} : memref<128x128xf32, #tpu.memory_space<vmem>>, vector<1x16xf32>,
          %get3A_150 = vector.shape_cast %get3A_149 : vector<1x16xf32> to vector<16xf32>
          %get3A_151 = arith.index_cast %add3A_135 : i32 to index
          %get3A_152 = arith.constant 48 : index
          %get3A_153 = tpu.vector_load %arg8[%get3A_151, %get3A_152] {strides = array<i32>} : memref<128x128xf32, #tpu.memory_space<vmem>>, vector<1x16xf32>,
          %get3A_154 = vector.shape_cast %get3A_153 : vector<1x16xf32> to vector<16xf32>
          %get3A_155 = arith.index_cast %add3A_135 : i32 to index
          %get3A_156 = arith.constant 64 : index
          %get3A_157 = tpu.vector_load %arg8[%get3A_155, %get3A_156] {strides = array<i32>} : memref<128x128xf32, #tpu.memory_space<vmem>>, vector<1x16xf32>,
          %get3A_158 = vector.shape_cast %get3A_157 : vector<1x16xf32> to vector<16xf32>
          %get3A_159 = arith.index_cast %add3A_135 : i32 to index
          %get3A_160 = arith.constant 80 : index
          %get3A_161 = tpu.vector_load %arg8[%get3A_159, %get3A_160] {strides = array<i32>} : memref<128x128xf32, #tpu.memory_space<vmem>>, vector<1x16xf32>,
          %get3A_162 = vector.shape_cast %get3A_161 : vector<1x16xf32> to vector<16xf32>
          %get3A_163 = arith.index_cast %add3A_135 : i32 to index
          %get3A_164 = arith.constant 96 : index
          %get3A_165 = tpu.vector_load %arg8[%get3A_163, %get3A_164] {strides = array<i32>} : memref<128x128xf32, #tpu.memory_space<vmem>>, vector<1x16xf32>,
          %get3A_166 = vector.shape_cast %get3A_165 : vector<1x16xf32> to vector<16xf32>
          %get3A_167 = arith.index_cast %add3A_135 : i32 to index
          %get3A_168 = arith.constant 112 : index
          %get3A_169 = tpu.vector_load %arg8[%get3A_167, %get3A_168] {strides = array<i32>} : memref<128x128xf32, #tpu.memory_space<vmem>>, vector<1x16xf32>,
          %get3A_170 = vector.shape_cast %get3A_169 : vector<1x16xf32> to vector<16xf32>
          %add3A_171 = arith.constant 64 : i32
          %add3A_172 = arith.addi %add3A_171, %add3A_135 : i32
          %get3A_173 = arith.index_cast %add3A_172 : i32 to index
          %get3A_174 = arith.constant 0 : index
          %get3A_175 = tpu.vector_load %arg8[%get3A_173, %get3A_174] {strides = array<i32>} : memref<128x128xf32, #tpu.memory_space<vmem>>, vector<1x16xf32>,
          %get3A_176 = vector.shape_cast %get3A_175 : vector<1x16xf32> to vector<16xf32>
          %add3A_177 = arith.constant 64 : i32
          %add3A_178 = arith.addi %add3A_177, %add3A_135 : i32
          %get3A_179 = arith.index_cast %add3A_178 : i32 to index
          %get3A_180 = arith.constant 16 : index
          %get3A_181 = tpu.vector_load %arg8[%get3A_179, %get3A_180] {strides = array<i32>} : memref<128x128xf32, #tpu.memory_space<vmem>>, vector<1x16xf32>,
          %get3A_182 = vector.shape_cast %get3A_181 : vector<1x16xf32> to vector<16xf32>
          %add3A_183 = arith.constant 64 : i32
          %add3A_184 = arith.addi %add3A_183, %add3A_135 : i32
          %get3A_185 = arith.index_cast %add3A_184 : i32 to index
          %get3A_186 = arith.constant 32 : index
          %get3A_187 = tpu.vector_load %arg8[%get3A_185, %get3A_186] {strides = array<i32>} : memref<128x128xf32, #tpu.memory_space<vmem>>, vector<1x16xf32>,
          %get3A_188 = vector.shape_cast %get3A_187 : vector<1x16xf32> to vector<16xf32>
          %add3A_189 = arith.constant 64 : i32
          %add3A_190 = arith.addi %add3A_189, %add3A_135 : i32
          %get3A_191 = arith.index_cast %add3A_190 : i32 to index
          %get3A_192 = arith.constant 48 : index
          %get3A_193 = tpu.vector_load %arg8[%get3A_191, %get3A_192] {strides = array<i32>} : memref<128x128xf32, #tpu.memory_space<vmem>>, vector<1x16xf32>,
          %get3A_194 = vector.shape_cast %get3A_193 : vector<1x16xf32> to vector<16xf32>
          %add3A_195 = arith.constant 64 : i32
          %add3A_196 = arith.addi %add3A_195, %add3A_135 : i32
          %get3A_197 = arith.index_cast %add3A_196 : i32 to index
          %get3A_198 = arith.constant 64 : index
          %get3A_199 = tpu.vector_load %arg8[%get3A_197, %get3A_198] {strides = array<i32>} : memref<128x128xf32, #tpu.memory_space<vmem>>, vector<1x16xf32>,
          %get3A_200 = vector.shape_cast %get3A_199 : vector<1x16xf32> to vector<16xf32>
          %add3A_201 = arith.constant 64 : i32
          %add3A_202 = arith.addi %add3A_201, %add3A_135 : i32
          %get3A_203 = arith.index_cast %add3A_202 : i32 to index
          %get3A_204 = arith.constant 80 : index
          %get3A_205 = tpu.vector_load %arg8[%get3A_203, %get3A_204] {strides = array<i32>} : memref<128x128xf32, #tpu.memory_space<vmem>>, vector<1x16xf32>,
          %get3A_206 = vector.shape_cast %get3A_205 : vector<1x16xf32> to vector<16xf32>
          %add3A_207 = arith.constant 64 : i32
          %add3A_208 = arith.addi %add3A_207, %add3A_135 : i32
          %get3A_209 = arith.index_cast %add3A_208 : i32 to index
          %get3A_210 = arith.constant 96 : index
          %get3A_211 = tpu.vector_load %arg8[%get3A_209, %get3A_210] {strides = array<i32>} : memref<128x128xf32, #tpu.memory_space<vmem>>, vector<1x16xf32>,
          %get3A_212 = vector.shape_cast %get3A_211 : vector<1x16xf32> to vector<16xf32>
          %add3A_213 = arith.constant 64 : i32
          %add3A_214 = arith.addi %add3A_213, %add3A_135 : i32
          %get3A_215 = arith.index_cast %add3A_214 : i32 to index
          %get3A_216 = arith.constant 112 : index
          %get3A_217 = tpu.vector_load %arg8[%get3A_215, %get3A_216] {strides = array<i32>} : memref<128x128xf32, #tpu.memory_space<vmem>>, vector<1x16xf32>,
          %get3A_218 = vector.shape_cast %get3A_217 : vector<1x16xf32> to vector<16xf32>
          %swap3A = arith.index_cast %add3A_135 : i32 to index
          %swap3A_219 = arith.constant 0 : index
          %swap3A_220 = tpu.vector_load %arg12[%swap3A, %swap3A_219] {strides = array<i32>} : memref<64x272xf32, #tpu.memory_space<vmem>>, vector<1x16xf32>,
          %swap3A_221 = vector.shape_cast %swap3A_220 : vector<1x16xf32> to vector<16xf32>
          %swap3A_222 = vector.shape_cast %get3A_138 : vector<16xf32> to vector<1x16xf32>
          tpu.vector_store %arg12[%swap3A, %swap3A_219], %swap3A_222 {strides = array<i32>} : memref<64x272xf32, #tpu.memory_space<vmem>>, vector<1x16xf32>,
          %swap3A_223 = arith.index_cast %add3A_135 : i32 to index
          %swap3A_224 = arith.constant 16 : index
          %swap3A_225 = tpu.vector_load %arg12[%swap3A_223, %swap3A_224] {strides = array<i32>} : memref<64x272xf32, #tpu.memory_space<vmem>>, vector<1x16xf32>,
          %swap3A_226 = vector.shape_cast %swap3A_225 : vector<1x16xf32> to vector<16xf32>
          %swap3A_227 = vector.shape_cast %get3A_142 : vector<16xf32> to vector<1x16xf32>
          tpu.vector_store %arg12[%swap3A_223, %swap3A_224], %swap3A_227 {strides = array<i32>} : memref<64x272xf32, #tpu.memory_space<vmem>>, vector<1x16xf32>,
          %swap3A_228 = arith.index_cast %add3A_135 : i32 to index
          %swap3A_229 = arith.constant 32 : index
          %swap3A_230 = tpu.vector_load %arg12[%swap3A_228, %swap3A_229] {strides = array<i32>} : memref<64x272xf32, #tpu.memory_space<vmem>>, vector<1x16xf32>,
          %swap3A_231 = vector.shape_cast %swap3A_230 : vector<1x16xf32> to vector<16xf32>
          %swap3A_232 = vector.shape_cast %get3A_146 : vector<16xf32> to vector<1x16xf32>
          tpu.vector_store %arg12[%swap3A_228, %swap3A_229], %swap3A_232 {strides = array<i32>} : memref<64x272xf32, #tpu.memory_space<vmem>>, vector<1x16xf32>,
          %swap3A_233 = arith.index_cast %add3A_135 : i32 to index
          %swap3A_234 = arith.constant 48 : index
          %swap3A_235 = tpu.vector_load %arg12[%swap3A_233, %swap3A_234] {strides = array<i32>} : memref<64x272xf32, #tpu.memory_space<vmem>>, vector<1x16xf32>,
          %swap3A_236 = vector.shape_cast %swap3A_235 : vector<1x16xf32> to vector<16xf32>
          %swap3A_237 = vector.shape_cast %get3A_150 : vector<16xf32> to vector<1x16xf32>
          tpu.vector_store %arg12[%swap3A_233, %swap3A_234], %swap3A_237 {strides = array<i32>} : memref<64x272xf32, #tpu.memory_space<vmem>>, vector<1x16xf32>,
          %swap3A_238 = arith.index_cast %add3A_135 : i32 to index
          %swap3A_239 = arith.constant 64 : index
          %swap3A_240 = tpu.vector_load %arg12[%swap3A_238, %swap3A_239] {strides = array<i32>} : memref<64x272xf32, #tpu.memory_space<vmem>>, vector<1x16xf32>,
          %swap3A_241 = vector.shape_cast %swap3A_240 : vector<1x16xf32> to vector<16xf32>
          %swap3A_242 = vector.shape_cast %get3A_154 : vector<16xf32> to vector<1x16xf32>
          tpu.vector_store %arg12[%swap3A_238, %swap3A_239], %swap3A_242 {strides = array<i32>} : memref<64x272xf32, #tpu.memory_space<vmem>>, vector<1x16xf32>,
          %swap3A_243 = arith.index_cast %add3A_135 : i32 to index
          %swap3A_244 = arith.constant 80 : index
          %swap3A_245 = tpu.vector_load %arg12[%swap3A_243, %swap3A_244] {strides = array<i32>} : memref<64x272xf32, #tpu.memory_space<vmem>>, vector<1x16xf32>,
          %swap3A_246 = vector.shape_cast %swap3A_245 : vector<1x16xf32> to vector<16xf32>
          %swap3A_247 = vector.shape_cast %get3A_158 : vector<16xf32> to vector<1x16xf32>
          tpu.vector_store %arg12[%swap3A_243, %swap3A_244], %swap3A_247 {strides = array<i32>} : memref<64x272xf32, #tpu.memory_space<vmem>>, vector<1x16xf32>,
          %swap3A_248 = arith.index_cast %add3A_135 : i32 to index
          %swap3A_249 = arith.constant 96 : index
          %swap3A_250 = tpu.vector_load %arg12[%swap3A_248, %swap3A_249] {strides = array<i32>} : memref<64x272xf32, #tpu.memory_space<vmem>>, vector<1x16xf32>,
          %swap3A_251 = vector.shape_cast %swap3A_250 : vector<1x16xf32> to vector<16xf32>
          %swap3A_252 = vector.shape_cast %get3A_162 : vector<16xf32> to vector<1x16xf32>
          tpu.vector_store %arg12[%swap3A_248, %swap3A_249], %swap3A_252 {strides = array<i32>} : memref<64x272xf32, #tpu.memory_space<vmem>>, vector<1x16xf32>,
          %swap3A_253 = arith.index_cast %add3A_135 : i32 to index
          %swap3A_254 = arith.constant 112 : index
          %swap3A_255 = tpu.vector_load %arg12[%swap3A_253, %swap3A_254] {strides = array<i32>} : memref<64x272xf32, #tpu.memory_space<vmem>>, vector<1x16xf32>,
          %swap3A_256 = vector.shape_cast %swap3A_255 : vector<1x16xf32> to vector<16xf32>
          %swap3A_257 = vector.shape_cast %get3A_166 : vector<16xf32> to vector<1x16xf32>
          tpu.vector_store %arg12[%swap3A_253, %swap3A_254], %swap3A_257 {strides = array<i32>} : memref<64x272xf32, #tpu.memory_space<vmem>>, vector<1x16xf32>,
          %swap3A_258 = arith.index_cast %add3A_135 : i32 to index
          %swap3A_259 = arith.constant 128 : index
          %swap3A_260 = tpu.vector_load %arg12[%swap3A_258, %swap3A_259] {strides = array<i32>} : memref<64x272xf32, #tpu.memory_space<vmem>>, vector<1x16xf32>,
          %swap3A_261 = vector.shape_cast %swap3A_260 : vector<1x16xf32> to vector<16xf32>
          %swap3A_262 = vector.shape_cast %get3A_170 : vector<16xf32> to vector<1x16xf32>
          tpu.vector_store %arg12[%swap3A_258, %swap3A_259], %swap3A_262 {strides = array<i32>} : memref<64x272xf32, #tpu.memory_space<vmem>>, vector<1x16xf32>,
          %swap3A_263 = arith.index_cast %add3A_135 : i32 to index
          %swap3A_264 = arith.constant 144 : index
          %swap3A_265 = tpu.vector_load %arg12[%swap3A_263, %swap3A_264] {strides = array<i32>} : memref<64x272xf32, #tpu.memory_space<vmem>>, vector<1x16xf32>,
          %swap3A_266 = vector.shape_cast %swap3A_265 : vector<1x16xf32> to vector<16xf32>
          %swap3A_267 = vector.shape_cast %get3A_176 : vector<16xf32> to vector<1x16xf32>
          tpu.vector_store %arg12[%swap3A_263, %swap3A_264], %swap3A_267 {strides = array<i32>} : memref<64x272xf32, #tpu.memory_space<vmem>>, vector<1x16xf32>,
          %swap3A_268 = arith.index_cast %add3A_135 : i32 to index
          %swap3A_269 = arith.constant 160 : index
          %swap3A_270 = tpu.vector_load %arg12[%swap3A_268, %swap3A_269] {strides = array<i32>} : memref<64x272xf32, #tpu.memory_space<vmem>>, vector<1x16xf32>,
          %swap3A_271 = vector.shape_cast %swap3A_270 : vector<1x16xf32> to vector<16xf32>
          %swap3A_272 = vector.shape_cast %get3A_182 : vector<16xf32> to vector<1x16xf32>
          tpu.vector_store %arg12[%swap3A_268, %swap3A_269], %swap3A_272 {strides = array<i32>} : memref<64x272xf32, #tpu.memory_space<vmem>>, vector<1x16xf32>,
          %swap3A_273 = arith.index_cast %add3A_135 : i32 to index
          %swap3A_274 = arith.constant 176 : index
          %swap3A_275 = tpu.vector_load %arg12[%swap3A_273, %swap3A_274] {strides = array<i32>} : memref<64x272xf32, #tpu.memory_space<vmem>>, vector<1x16xf32>,
          %swap3A_276 = vector.shape_cast %swap3A_275 : vector<1x16xf32> to vector<16xf32>
          %swap3A_277 = vector.shape_cast %get3A_188 : vector<16xf32> to vector<1x16xf32>
          tpu.vector_store %arg12[%swap3A_273, %swap3A_274], %swap3A_277 {strides = array<i32>} : memref<64x272xf32, #tpu.memory_space<vmem>>, vector<1x16xf32>,
          %swap3A_278 = arith.index_cast %add3A_135 : i32 to index
          %swap3A_279 = arith.constant 192 : index
          %swap3A_280 = tpu.vector_load %arg12[%swap3A_278, %swap3A_279] {strides = array<i32>} : memref<64x272xf32, #tpu.memory_space<vmem>>, vector<1x16xf32>,
          %swap3A_281 = vector.shape_cast %swap3A_280 : vector<1x16xf32> to vector<16xf32>
          %swap3A_282 = vector.shape_cast %get3A_194 : vector<16xf32> to vector<1x16xf32>
          tpu.vector_store %arg12[%swap3A_278, %swap3A_279], %swap3A_282 {strides = array<i32>} : memref<64x272xf32, #tpu.memory_space<vmem>>, vector<1x16xf32>,
          %swap3A_283 = arith.index_cast %add3A_135 : i32 to index
          %swap3A_284 = arith.constant 208 : index
          %swap3A_285 = tpu.vector_load %arg12[%swap3A_283, %swap3A_284] {strides = array<i32>} : memref<64x272xf32, #tpu.memory_space<vmem>>, vector<1x16xf32>,
          %swap3A_286 = vector.shape_cast %swap3A_285 : vector<1x16xf32> to vector<16xf32>
          %swap3A_287 = vector.shape_cast %get3A_200 : vector<16xf32> to vector<1x16xf32>
          tpu.vector_store %arg12[%swap3A_283, %swap3A_284], %swap3A_287 {strides = array<i32>} : memref<64x272xf32, #tpu.memory_space<vmem>>, vector<1x16xf32>,
          %swap3A_288 = arith.index_cast %add3A_135 : i32 to index
          %swap3A_289 = arith.constant 224 : index
          %swap3A_290 = tpu.vector_load %arg12[%swap3A_288, %swap3A_289] {strides = array<i32>} : memref<64x272xf32, #tpu.memory_space<vmem>>, vector<1x16xf32>,
          %swap3A_291 = vector.shape_cast %swap3A_290 : vector<1x16xf32> to vector<16xf32>
          %swap3A_292 = vector.shape_cast %get3A_206 : vector<16xf32> to vector<1x16xf32>
          tpu.vector_store %arg12[%swap3A_288, %swap3A_289], %swap3A_292 {strides = array<i32>} : memref<64x272xf32, #tpu.memory_space<vmem>>, vector<1x16xf32>,
          %swap3A_293 = arith.index_cast %add3A_135 : i32 to index
          %swap3A_294 = arith.constant 240 : index
          %swap3A_295 = tpu.vector_load %arg12[%swap3A_293, %swap3A_294] {strides = array<i32>} : memref<64x272xf32, #tpu.memory_space<vmem>>, vector<1x16xf32>,
          %swap3A_296 = vector.shape_cast %swap3A_295 : vector<1x16xf32> to vector<16xf32>
          %swap3A_297 = vector.shape_cast %get3A_212 : vector<16xf32> to vector<1x16xf32>
          tpu.vector_store %arg12[%swap3A_293, %swap3A_294], %swap3A_297 {strides = array<i32>} : memref<64x272xf32, #tpu.memory_space<vmem>>, vector<1x16xf32>,
          %swap3A_298 = arith.index_cast %add3A_135 : i32 to index
          %swap3A_299 = arith.constant 256 : index
          %swap3A_300 = tpu.vector_load %arg12[%swap3A_298, %swap3A_299] {strides = array<i32>} : memref<64x272xf32, #tpu.memory_space<vmem>>, vector<1x16xf32>,
          %swap3A_301 = vector.shape_cast %swap3A_300 : vector<1x16xf32> to vector<16xf32>
          %swap3A_302 = vector.shape_cast %get3A_218 : vector<16xf32> to vector<1x16xf32>
          tpu.vector_store %arg12[%swap3A_298, %swap3A_299], %swap3A_302 {strides = array<i32>} : memref<64x272xf32, #tpu.memory_space<vmem>>, vector<1x16xf32>,
        }
        %scan3A_125 = arith.constant 64 : i32
        %mul3A_126 = arith.constant 64 : i32
        %mul3A_127 = arith.muli %add3A_37, %mul3A_126 : i32
        %dma_start3A = arith.constant 0 : i32
        %dma_start3A_128 = tpu.memref_slice %arg5[%mul3A_127, %dma_start3A] : memref<320000x272xf32, #tpu.memory_space<hbm>> -> memref<64x272xf32, #tpu.memory_space<hbm>>
        %dma_start3A_129 = arith.constant 0 : i32
        %dma_start3A_130 = tpu.memref_slice %arg5[%mul3A_127, %dma_start3A_129] : memref<320000x272xf32, #tpu.memory_space<hbm>> -> memref<64x272xf32, #tpu.memory_space<hbm>>
        tpu.enqueue_dma source(%arg12 : memref<64x272xf32, #tpu.memory_space<vmem>>) target(%dma_start3A_130 : memref<64x272xf32, #tpu.memory_space<hbm>>) target_semaphore(%arg26 : memref<!tpu.dma_semaphore, #tpu.memory_space<semaphore_mem>>)
      } else {
      }
      %add3A_47 = arith.constant 1 : i32
      %add3A_48 = arith.addi %add3A_34, %add3A_47 : i32
      %mul3A_49 = arith.constant 32 : i32
      %mul3A_50 = arith.muli %add3A_48, %mul3A_49 : i32
      %add3A_51 = arith.addi %add3A, %mul3A_50 : i32
      %add3A_52 = arith.constant 32 : i32
      %add3A_53 = arith.addi %add3A_51, %add3A_52 : i32
      %add3A_54 = arith.constant 64 : i32
      %add3A_55 = arith.addi %add3A_51, %add3A_54 : i32
      %lt3A_56 = arith.constant 5000 : i32
      %lt3A_57 = arith.cmpi slt, %add3A_51, %lt3A_56 : i32
      %convert_element_type3A_58 = arith.extui %lt3A_57 : i1 to i32
      %cond3A_59 = arith.constant 0 : i32
      %cond3A_60 = arith.cmpi ne, %convert_element_type3A_58, %cond3A_59 : i32
      scf.if %cond3A_60 {
        %lt3A_61 = arith.constant 5000 : i32
        %lt3A_62 = arith.cmpi slt, %add3A_53, %lt3A_61 : i32
        %convert_element_type3A_63 = arith.extui %lt3A_62 : i1 to i32
        %cond3A_64 = arith.constant 0 : i32
        %cond3A_65 = arith.cmpi ne, %convert_element_type3A_63, %cond3A_64 : i32
        scf.if %cond3A_65 {
          %dma_wait3A_131 = arith.constant 0 : i32
          %dma_wait3A_132 = arith.constant 0 : i32
          %dma_wait3A_133 = arith.constant 0 : i32
          %dma_wait3A_134 = tpu.memref_slice %arg3[%dma_wait3A_131, %dma_wait3A_132, %dma_wait3A_133] : memref<5000x1x128xi32, #tpu.memory_space<hbm>> -> memref<1x1x128xi32, #tpu.memory_space<hbm>>
          %dma_wait3A_135 = tpu.memref_squeeze %dma_wait3A_134 : memref<1x1x128xi32, #tpu.memory_space<hbm>> -> memref<1x128xi32, #tpu.memory_space<hbm>>
          %dma_wait3A_136 = arith.constant 0 : i32
          %dma_wait3A_137 = arith.constant 0 : i32
          %dma_wait3A_138 = tpu.memref_slice %arg3[%dma_wait3A_131, %dma_wait3A_136, %dma_wait3A_137] : memref<5000x1x128xi32, #tpu.memory_space<hbm>> -> memref<1x1x128xi32, #tpu.memory_space<hbm>>
          %dma_wait3A_139 = tpu.memref_squeeze %dma_wait3A_138 : memref<1x1x128xi32, #tpu.memory_space<hbm>> -> memref<1x128xi32, #tpu.memory_space<hbm>>
          tpu.wait_dma2 semaphore(%arg14 : memref<!tpu.dma_semaphore, #tpu.memory_space<semaphore_mem>>) src(%dma_wait3A_139 : memref<1x128xi32, #tpu.memory_space<hbm>>) dst(%arg6 : memref<1x128xi32, #tpu.memory_space<vmem>>)
          %dma_start3A_140 = arith.constant 0 : i32
          %dma_start3A_141 = arith.constant 0 : i32
          %dma_start3A_142 = arith.constant 0 : i32
          %dma_start3A_143 = tpu.memref_slice %arg8[%dma_start3A_141, %dma_start3A_142] : memref<128x128xf32, #tpu.memory_space<vmem>> -> memref<32x128xf32, #tpu.memory_space<vmem>>
          %dma_start3A_144 = arith.constant 0 : i32
          %dma_start3A_145 = tpu.memref_slice %arg6[%dma_start3A_140, %dma_start3A_144] : memref<1x128xi32, #tpu.memory_space<vmem>> -> memref<1x32xi32, #tpu.memory_space<vmem>>
          %dma_start3A_146 = tpu.memref_squeeze %dma_start3A_145 : memref<1x32xi32, #tpu.memory_space<vmem>> -> memref<32xi32, #tpu.memory_space<vmem>>
          %dma_start3A_147 = arith.constant 0 : i32
          %dma_start3A_148 = arith.constant 0 : i32
          %dma_start3A_149 = tpu.memref_slice %arg2[%dma_start3A_147, %dma_start3A_148] : memref<10000x128xf32, #tpu.memory_space<hbm>> -> memref<10000x128xf32, #tpu.memory_space<hbm>>
          tpu.enqueue_indirect_dma source(%dma_start3A_149 : memref<10000x128xf32, #tpu.memory_space<hbm>>) target(%dma_start3A_143 : memref<32x128xf32, #tpu.memory_space<vmem>>) offsets(%dma_start3A_146 : memref<32xi32, #tpu.memory_space<vmem>>) semaphore(%arg16 : memref<!tpu.dma_semaphore, #tpu.memory_space<semaphore_mem>>)
          %dma_start3A_150 = arith.constant 0 : i32
          %dma_start3A_151 = arith.constant 32 : i32
          %dma_start3A_152 = arith.constant 0 : i32
          %dma_start3A_153 = tpu.memref_slice %arg8[%dma_start3A_151, %dma_start3A_152] : memref<128x128xf32, #tpu.memory_space<vmem>> -> memref<32x128xf32, #tpu.memory_space<vmem>>
          %dma_start3A_154 = arith.constant 32 : i32
          %dma_start3A_155 = tpu.memref_slice %arg6[%dma_start3A_150, %dma_start3A_154] : memref<1x128xi32, #tpu.memory_space<vmem>> -> memref<1x32xi32, #tpu.memory_space<vmem>>
          %dma_start3A_156 = tpu.memref_squeeze %dma_start3A_155 : memref<1x32xi32, #tpu.memory_space<vmem>> -> memref<32xi32, #tpu.memory_space<vmem>>
          %dma_start3A_157 = arith.constant 0 : i32
          %dma_start3A_158 = arith.constant 0 : i32
          %dma_start3A_159 = tpu.memref_slice %arg2[%dma_start3A_157, %dma_start3A_158] : memref<10000x128xf32, #tpu.memory_space<hbm>> -> memref<10000x128xf32, #tpu.memory_space<hbm>>
          tpu.enqueue_indirect_dma source(%dma_start3A_159 : memref<10000x128xf32, #tpu.memory_space<hbm>>) target(%dma_start3A_153 : memref<32x128xf32, #tpu.memory_space<vmem>>) offsets(%dma_start3A_156 : memref<32xi32, #tpu.memory_space<vmem>>) semaphore(%arg17 : memref<!tpu.dma_semaphore, #tpu.memory_space<semaphore_mem>>)
          %dma_start3A_160 = arith.constant 0 : i32
          %dma_start3A_161 = arith.constant 64 : i32
          %dma_start3A_162 = arith.constant 0 : i32
          %dma_start3A_163 = tpu.memref_slice %arg8[%dma_start3A_161, %dma_start3A_162] : memref<128x128xf32, #tpu.memory_space<vmem>> -> memref<32x128xf32, #tpu.memory_space<vmem>>
          %dma_start3A_164 = arith.constant 64 : i32
          %dma_start3A_165 = tpu.memref_slice %arg6[%dma_start3A_160, %dma_start3A_164] : memref<1x128xi32, #tpu.memory_space<vmem>> -> memref<1x32xi32, #tpu.memory_space<vmem>>
          %dma_start3A_166 = tpu.memref_squeeze %dma_start3A_165 : memref<1x32xi32, #tpu.memory_space<vmem>> -> memref<32xi32, #tpu.memory_space<vmem>>
          %dma_start3A_167 = arith.constant 0 : i32
          %dma_start3A_168 = arith.constant 0 : i32
          %dma_start3A_169 = tpu.memref_slice %arg2[%dma_start3A_167, %dma_start3A_168] : memref<10000x128xf32, #tpu.memory_space<hbm>> -> memref<10000x128xf32, #tpu.memory_space<hbm>>
          tpu.enqueue_indirect_dma source(%dma_start3A_169 : memref<10000x128xf32, #tpu.memory_space<hbm>>) target(%dma_start3A_163 : memref<32x128xf32, #tpu.memory_space<vmem>>) offsets(%dma_start3A_166 : memref<32xi32, #tpu.memory_space<vmem>>) semaphore(%arg18 : memref<!tpu.dma_semaphore, #tpu.memory_space<semaphore_mem>>)
          %dma_start3A_170 = arith.constant 0 : i32
          %dma_start3A_171 = arith.constant 96 : i32
          %dma_start3A_172 = arith.constant 0 : i32
          %dma_start3A_173 = tpu.memref_slice %arg8[%dma_start3A_171, %dma_start3A_172] : memref<128x128xf32, #tpu.memory_space<vmem>> -> memref<32x128xf32, #tpu.memory_space<vmem>>
          %dma_start3A_174 = arith.constant 96 : i32
          %dma_start3A_175 = tpu.memref_slice %arg6[%dma_start3A_170, %dma_start3A_174] : memref<1x128xi32, #tpu.memory_space<vmem>> -> memref<1x32xi32, #tpu.memory_space<vmem>>
          %dma_start3A_176 = tpu.memref_squeeze %dma_start3A_175 : memref<1x32xi32, #tpu.memory_space<vmem>> -> memref<32xi32, #tpu.memory_space<vmem>>
          %dma_start3A_177 = arith.constant 0 : i32
          %dma_start3A_178 = arith.constant 0 : i32
          %dma_start3A_179 = tpu.memref_slice %arg2[%dma_start3A_177, %dma_start3A_178] : memref<10000x128xf32, #tpu.memory_space<hbm>> -> memref<10000x128xf32, #tpu.memory_space<hbm>>
          tpu.enqueue_indirect_dma source(%dma_start3A_179 : memref<10000x128xf32, #tpu.memory_space<hbm>>) target(%dma_start3A_173 : memref<32x128xf32, #tpu.memory_space<vmem>>) offsets(%dma_start3A_176 : memref<32xi32, #tpu.memory_space<vmem>>) semaphore(%arg19 : memref<!tpu.dma_semaphore, #tpu.memory_space<semaphore_mem>>)
          %mul3A_180 = arith.constant 64 : i32
          %mul3A_181 = arith.muli %add3A_53, %mul3A_180 : i32
          %dma_start3A_182 = arith.constant 0 : i32
          %dma_start3A_183 = tpu.memref_slice %arg4[%mul3A_181, %dma_start3A_182] : memref<320000x16xf32, #tpu.memory_space<hbm>> -> memref<64x16xf32, #tpu.memory_space<hbm>>
          %dma_start3A_184 = arith.constant 0 : i32
          %dma_start3A_185 = tpu.memref_slice %arg4[%mul3A_181, %dma_start3A_184] : memref<320000x16xf32, #tpu.memory_space<hbm>> -> memref<64x16xf32, #tpu.memory_space<hbm>>
          tpu.enqueue_dma source(%dma_start3A_185 : memref<64x16xf32, #tpu.memory_space<hbm>>) target(%arg10 : memref<64x16xf32, #tpu.memory_space<vmem>>) target_semaphore(%arg24 : memref<!tpu.dma_semaphore, #tpu.memory_space<semaphore_mem>>)
        } else {
        }
        %dma_wait3A_66 = arith.constant 0 : i32
        %dma_wait3A_67 = arith.constant 0 : i32
        %dma_wait3A_68 = arith.constant 0 : i32
        %dma_wait3A_69 = tpu.memref_slice %arg9[%dma_wait3A_67, %dma_wait3A_68] : memref<128x128xf32, #tpu.memory_space<vmem>> -> memref<32x128xf32, #tpu.memory_space<vmem>>
        %dma_wait3A_70 = arith.constant 0 : i32
        %dma_wait3A_71 = tpu.memref_slice %arg7[%dma_wait3A_66, %dma_wait3A_70] : memref<1x128xi32, #tpu.memory_space<vmem>> -> memref<1x32xi32, #tpu.memory_space<vmem>>
        %dma_wait3A_72 = tpu.memref_squeeze %dma_wait3A_71 : memref<1x32xi32, #tpu.memory_space<vmem>> -> memref<32xi32, #tpu.memory_space<vmem>>
        %dma_wait3A_73 = arith.constant 0 : i32
        %dma_wait3A_74 = arith.constant 0 : i32
        %dma_wait3A_75 = tpu.memref_slice %arg2[%dma_wait3A_73, %dma_wait3A_74] : memref<10000x128xf32, #tpu.memory_space<hbm>> -> memref<10000x128xf32, #tpu.memory_space<hbm>>
        tpu.wait_indirect_dma semaphore(%arg20 : memref<!tpu.dma_semaphore, #tpu.memory_space<semaphore_mem>>) src(%dma_wait3A_75 : memref<10000x128xf32, #tpu.memory_space<hbm>>) dst(%dma_wait3A_69 : memref<32x128xf32, #tpu.memory_space<vmem>>)
        %dma_wait3A_76 = arith.constant 0 : i32
        %dma_wait3A_77 = arith.constant 32 : i32
        %dma_wait3A_78 = arith.constant 0 : i32
        %dma_wait3A_79 = tpu.memref_slice %arg9[%dma_wait3A_77, %dma_wait3A_78] : memref<128x128xf32, #tpu.memory_space<vmem>> -> memref<32x128xf32, #tpu.memory_space<vmem>>
        %dma_wait3A_80 = arith.constant 32 : i32
        %dma_wait3A_81 = tpu.memref_slice %arg7[%dma_wait3A_76, %dma_wait3A_80] : memref<1x128xi32, #tpu.memory_space<vmem>> -> memref<1x32xi32, #tpu.memory_space<vmem>>
        %dma_wait3A_82 = tpu.memref_squeeze %dma_wait3A_81 : memref<1x32xi32, #tpu.memory_space<vmem>> -> memref<32xi32, #tpu.memory_space<vmem>>
        %dma_wait3A_83 = arith.constant 0 : i32
        %dma_wait3A_84 = arith.constant 0 : i32
        %dma_wait3A_85 = tpu.memref_slice %arg2[%dma_wait3A_83, %dma_wait3A_84] : memref<10000x128xf32, #tpu.memory_space<hbm>> -> memref<10000x128xf32, #tpu.memory_space<hbm>>
        tpu.wait_indirect_dma semaphore(%arg21 : memref<!tpu.dma_semaphore, #tpu.memory_space<semaphore_mem>>) src(%dma_wait3A_85 : memref<10000x128xf32, #tpu.memory_space<hbm>>) dst(%dma_wait3A_79 : memref<32x128xf32, #tpu.memory_space<vmem>>)
        %dma_wait3A_86 = arith.constant 0 : i32
        %dma_wait3A_87 = arith.constant 64 : i32
        %dma_wait3A_88 = arith.constant 0 : i32
        %dma_wait3A_89 = tpu.memref_slice %arg9[%dma_wait3A_87, %dma_wait3A_88] : memref<128x128xf32, #tpu.memory_space<vmem>> -> memref<32x128xf32, #tpu.memory_space<vmem>>
        %dma_wait3A_90 = arith.constant 64 : i32
        %dma_wait3A_91 = tpu.memref_slice %arg7[%dma_wait3A_86, %dma_wait3A_90] : memref<1x128xi32, #tpu.memory_space<vmem>> -> memref<1x32xi32, #tpu.memory_space<vmem>>
        %dma_wait3A_92 = tpu.memref_squeeze %dma_wait3A_91 : memref<1x32xi32, #tpu.memory_space<vmem>> -> memref<32xi32, #tpu.memory_space<vmem>>
        %dma_wait3A_93 = arith.constant 0 : i32
        %dma_wait3A_94 = arith.constant 0 : i32
        %dma_wait3A_95 = tpu.memref_slice %arg2[%dma_wait3A_93, %dma_wait3A_94] : memref<10000x128xf32, #tpu.memory_space<hbm>> -> memref<10000x128xf32, #tpu.memory_space<hbm>>
        tpu.wait_indirect_dma semaphore(%arg22 : memref<!tpu.dma_semaphore, #tpu.memory_space<semaphore_mem>>) src(%dma_wait3A_95 : memref<10000x128xf32, #tpu.memory_space<hbm>>) dst(%dma_wait3A_89 : memref<32x128xf32, #tpu.memory_space<vmem>>)
        %dma_wait3A_96 = arith.constant 0 : i32
        %dma_wait3A_97 = arith.constant 96 : i32
        %dma_wait3A_98 = arith.constant 0 : i32
        %dma_wait3A_99 = tpu.memref_slice %arg9[%dma_wait3A_97, %dma_wait3A_98] : memref<128x128xf32, #tpu.memory_space<vmem>> -> memref<32x128xf32, #tpu.memory_space<vmem>>
        %dma_wait3A_100 = arith.constant 96 : i32
        %dma_wait3A_101 = tpu.memref_slice %arg7[%dma_wait3A_96, %dma_wait3A_100] : memref<1x128xi32, #tpu.memory_space<vmem>> -> memref<1x32xi32, #tpu.memory_space<vmem>>
        %dma_wait3A_102 = tpu.memref_squeeze %dma_wait3A_101 : memref<1x32xi32, #tpu.memory_space<vmem>> -> memref<32xi32, #tpu.memory_space<vmem>>
        %dma_wait3A_103 = arith.constant 0 : i32
        %dma_wait3A_104 = arith.constant 0 : i32
        %dma_wait3A_105 = tpu.memref_slice %arg2[%dma_wait3A_103, %dma_wait3A_104] : memref<10000x128xf32, #tpu.memory_space<hbm>> -> memref<10000x128xf32, #tpu.memory_space<hbm>>
        tpu.wait_indirect_dma semaphore(%arg23 : memref<!tpu.dma_semaphore, #tpu.memory_space<semaphore_mem>>) src(%dma_wait3A_105 : memref<10000x128xf32, #tpu.memory_space<hbm>>) dst(%dma_wait3A_99 : memref<32x128xf32, #tpu.memory_space<vmem>>)
        %dma_wait3A_106 = arith.constant 0 : i32
        %dma_wait3A_107 = arith.constant 0 : i32
        %dma_wait3A_108 = tpu.memref_slice %arg4[%dma_wait3A_106, %dma_wait3A_107] : memref<320000x16xf32, #tpu.memory_space<hbm>> -> memref<64x16xf32, #tpu.memory_space<hbm>>
        %dma_wait3A_109 = arith.constant 0 : i32
        %dma_wait3A_110 = arith.constant 0 : i32
        %dma_wait3A_111 = tpu.memref_slice %arg4[%dma_wait3A_109, %dma_wait3A_110] : memref<320000x16xf32, #tpu.memory_space<hbm>> -> memref<64x16xf32, #tpu.memory_space<hbm>>
        tpu.wait_dma2 semaphore(%arg25 : memref<!tpu.dma_semaphore, #tpu.memory_space<semaphore_mem>>) src(%dma_wait3A_111 : memref<64x16xf32, #tpu.memory_space<hbm>>) dst(%arg11 : memref<64x16xf32, #tpu.memory_space<vmem>>)
        %lt3A_112 = arith.constant 5000 : i32
        %lt3A_113 = arith.cmpi slt, %add3A_55, %lt3A_112 : i32
        %convert_element_type3A_114 = arith.extui %lt3A_113 : i1 to i32
        %cond3A_115 = arith.constant 0 : i32
        %cond3A_116 = arith.cmpi ne, %convert_element_type3A_114, %cond3A_115 : i32
        scf.if %cond3A_116 {
          %dma_start3A_131 = arith.constant 0 : i32
          %dma_start3A_132 = arith.constant 0 : i32
          %dma_start3A_133 = tpu.memref_slice %arg3[%add3A_55, %dma_start3A_131, %dma_start3A_132] : memref<5000x1x128xi32, #tpu.memory_space<hbm>> -> memref<1x1x128xi32, #tpu.memory_space<hbm>>
          %dma_start3A_134 = tpu.memref_squeeze %dma_start3A_133 : memref<1x1x128xi32, #tpu.memory_space<hbm>> -> memref<1x128xi32, #tpu.memory_space<hbm>>
          %dma_start3A_135 = arith.constant 0 : i32
          %dma_start3A_136 = arith.constant 0 : i32
          %dma_start3A_137 = tpu.memref_slice %arg3[%add3A_55, %dma_start3A_135, %dma_start3A_136] : memref<5000x1x128xi32, #tpu.memory_space<hbm>> -> memref<1x1x128xi32, #tpu.memory_space<hbm>>
          %dma_start3A_138 = tpu.memref_squeeze %dma_start3A_137 : memref<1x1x128xi32, #tpu.memory_space<hbm>> -> memref<1x128xi32, #tpu.memory_space<hbm>>
          tpu.enqueue_dma source(%dma_start3A_138 : memref<1x128xi32, #tpu.memory_space<hbm>>) target(%arg7 : memref<1x128xi32, #tpu.memory_space<vmem>>) target_semaphore(%arg15 : memref<!tpu.dma_semaphore, #tpu.memory_space<semaphore_mem>>)
        } else {
        }
        %ge3A = arith.constant 2 : i32
        %ge3A_117 = arith.cmpi sge, %add3A_48, %ge3A : i32
        %convert_element_type3A_118 = arith.extui %ge3A_117 : i1 to i32
        %cond3A_119 = arith.constant 0 : i32
        %cond3A_120 = arith.cmpi ne, %convert_element_type3A_118, %cond3A_119 : i32
        scf.if %cond3A_120 {
          %dma_wait3A_131 = arith.constant 0 : i32
          %dma_wait3A_132 = arith.constant 0 : i32
          %dma_wait3A_133 = tpu.memref_slice %arg5[%dma_wait3A_131, %dma_wait3A_132] : memref<320000x272xf32, #tpu.memory_space<hbm>> -> memref<64x272xf32, #tpu.memory_space<hbm>>
          %dma_wait3A_134 = arith.constant 0 : i32
          %dma_wait3A_135 = arith.constant 0 : i32
          %dma_wait3A_136 = tpu.memref_slice %arg5[%dma_wait3A_134, %dma_wait3A_135] : memref<320000x272xf32, #tpu.memory_space<hbm>> -> memref<64x272xf32, #tpu.memory_space<hbm>>
          tpu.wait_dma2 semaphore(%arg27 : memref<!tpu.dma_semaphore, #tpu.memory_space<semaphore_mem>>) src(%arg13 : memref<64x272xf32, #tpu.memory_space<vmem>>) dst(%dma_wait3A_136 : memref<64x272xf32, #tpu.memory_space<hbm>>)
        } else {
        }
        %scan3A_121 = arith.constant 0 : i32
        %scan3A_122 = arith.constant 64 : i32
        %scan3A_123 = arith.addi %scan3A_121, %scan3A_122 : i32
        %scan3A_124 = arith.constant 1 : i32
        scf.for %scan3A_131 = %scan3A_121 to %scan3A_123 step %scan3A_124  : i32 {
          %mul3A_132 = arith.constant 1 : i32
          %mul3A_133 = arith.muli %scan3A_131, %mul3A_132 : i32
          %add3A_134 = arith.constant 0 : i32
          %add3A_135 = arith.addi %add3A_134, %mul3A_133 : i32
          %get3A = arith.index_cast %add3A_135 : i32 to index
          %get3A_136 = arith.constant 0 : index
          %get3A_137 = tpu.vector_load %arg11[%get3A, %get3A_136] {strides = array<i32>} : memref<64x16xf32, #tpu.memory_space<vmem>>, vector<1x16xf32>,
          %get3A_138 = vector.shape_cast %get3A_137 : vector<1x16xf32> to vector<16xf32>
          %get3A_139 = arith.index_cast %add3A_135 : i32 to index
          %get3A_140 = arith.constant 0 : index
          %get3A_141 = tpu.vector_load %arg9[%get3A_139, %get3A_140] {strides = array<i32>} : memref<128x128xf32, #tpu.memory_space<vmem>>, vector<1x16xf32>,
          %get3A_142 = vector.shape_cast %get3A_141 : vector<1x16xf32> to vector<16xf32>
          %get3A_143 = arith.index_cast %add3A_135 : i32 to index
          %get3A_144 = arith.constant 16 : index
          %get3A_145 = tpu.vector_load %arg9[%get3A_143, %get3A_144] {strides = array<i32>} : memref<128x128xf32, #tpu.memory_space<vmem>>, vector<1x16xf32>,
          %get3A_146 = vector.shape_cast %get3A_145 : vector<1x16xf32> to vector<16xf32>
          %get3A_147 = arith.index_cast %add3A_135 : i32 to index
          %get3A_148 = arith.constant 32 : index
          %get3A_149 = tpu.vector_load %arg9[%get3A_147, %get3A_148] {strides = array<i32>} : memref<128x128xf32, #tpu.memory_space<vmem>>, vector<1x16xf32>,
          %get3A_150 = vector.shape_cast %get3A_149 : vector<1x16xf32> to vector<16xf32>
          %get3A_151 = arith.index_cast %add3A_135 : i32 to index
          %get3A_152 = arith.constant 48 : index
          %get3A_153 = tpu.vector_load %arg9[%get3A_151, %get3A_152] {strides = array<i32>} : memref<128x128xf32, #tpu.memory_space<vmem>>, vector<1x16xf32>,
          %get3A_154 = vector.shape_cast %get3A_153 : vector<1x16xf32> to vector<16xf32>
          %get3A_155 = arith.index_cast %add3A_135 : i32 to index
          %get3A_156 = arith.constant 64 : index
          %get3A_157 = tpu.vector_load %arg9[%get3A_155, %get3A_156] {strides = array<i32>} : memref<128x128xf32, #tpu.memory_space<vmem>>, vector<1x16xf32>,
          %get3A_158 = vector.shape_cast %get3A_157 : vector<1x16xf32> to vector<16xf32>
          %get3A_159 = arith.index_cast %add3A_135 : i32 to index
          %get3A_160 = arith.constant 80 : index
          %get3A_161 = tpu.vector_load %arg9[%get3A_159, %get3A_160] {strides = array<i32>} : memref<128x128xf32, #tpu.memory_space<vmem>>, vector<1x16xf32>,
          %get3A_162 = vector.shape_cast %get3A_161 : vector<1x16xf32> to vector<16xf32>
          %get3A_163 = arith.index_cast %add3A_135 : i32 to index
          %get3A_164 = arith.constant 96 : index
          %get3A_165 = tpu.vector_load %arg9[%get3A_163, %get3A_164] {strides = array<i32>} : memref<128x128xf32, #tpu.memory_space<vmem>>, vector<1x16xf32>,
          %get3A_166 = vector.shape_cast %get3A_165 : vector<1x16xf32> to vector<16xf32>
          %get3A_167 = arith.index_cast %add3A_135 : i32 to index
          %get3A_168 = arith.constant 112 : index
          %get3A_169 = tpu.vector_load %arg9[%get3A_167, %get3A_168] {strides = array<i32>} : memref<128x128xf32, #tpu.memory_space<vmem>>, vector<1x16xf32>,
          %get3A_170 = vector.shape_cast %get3A_169 : vector<1x16xf32> to vector<16xf32>
          %add3A_171 = arith.constant 64 : i32
          %add3A_172 = arith.addi %add3A_171, %add3A_135 : i32
          %get3A_173 = arith.index_cast %add3A_172 : i32 to index
          %get3A_174 = arith.constant 0 : index
          %get3A_175 = tpu.vector_load %arg9[%get3A_173, %get3A_174] {strides = array<i32>} : memref<128x128xf32, #tpu.memory_space<vmem>>, vector<1x16xf32>,
          %get3A_176 = vector.shape_cast %get3A_175 : vector<1x16xf32> to vector<16xf32>
          %add3A_177 = arith.constant 64 : i32
          %add3A_178 = arith.addi %add3A_177, %add3A_135 : i32
          %get3A_179 = arith.index_cast %add3A_178 : i32 to index
          %get3A_180 = arith.constant 16 : index
          %get3A_181 = tpu.vector_load %arg9[%get3A_179, %get3A_180] {strides = array<i32>} : memref<128x128xf32, #tpu.memory_space<vmem>>, vector<1x16xf32>,
          %get3A_182 = vector.shape_cast %get3A_181 : vector<1x16xf32> to vector<16xf32>
          %add3A_183 = arith.constant 64 : i32
          %add3A_184 = arith.addi %add3A_183, %add3A_135 : i32
          %get3A_185 = arith.index_cast %add3A_184 : i32 to index
          %get3A_186 = arith.constant 32 : index
          %get3A_187 = tpu.vector_load %arg9[%get3A_185, %get3A_186] {strides = array<i32>} : memref<128x128xf32, #tpu.memory_space<vmem>>, vector<1x16xf32>,
          %get3A_188 = vector.shape_cast %get3A_187 : vector<1x16xf32> to vector<16xf32>
          %add3A_189 = arith.constant 64 : i32
          %add3A_190 = arith.addi %add3A_189, %add3A_135 : i32
          %get3A_191 = arith.index_cast %add3A_190 : i32 to index
          %get3A_192 = arith.constant 48 : index
          %get3A_193 = tpu.vector_load %arg9[%get3A_191, %get3A_192] {strides = array<i32>} : memref<128x128xf32, #tpu.memory_space<vmem>>, vector<1x16xf32>,
          %get3A_194 = vector.shape_cast %get3A_193 : vector<1x16xf32> to vector<16xf32>
          %add3A_195 = arith.constant 64 : i32
          %add3A_196 = arith.addi %add3A_195, %add3A_135 : i32
          %get3A_197 = arith.index_cast %add3A_196 : i32 to index
          %get3A_198 = arith.constant 64 : index
          %get3A_199 = tpu.vector_load %arg9[%get3A_197, %get3A_198] {strides = array<i32>} : memref<128x128xf32, #tpu.memory_space<vmem>>, vector<1x16xf32>,
          %get3A_200 = vector.shape_cast %get3A_199 : vector<1x16xf32> to vector<16xf32>
          %add3A_201 = arith.constant 64 : i32
          %add3A_202 = arith.addi %add3A_201, %add3A_135 : i32
          %get3A_203 = arith.index_cast %add3A_202 : i32 to index
          %get3A_204 = arith.constant 80 : index
          %get3A_205 = tpu.vector_load %arg9[%get3A_203, %get3A_204] {strides = array<i32>} : memref<128x128xf32, #tpu.memory_space<vmem>>, vector<1x16xf32>,
          %get3A_206 = vector.shape_cast %get3A_205 : vector<1x16xf32> to vector<16xf32>
          %add3A_207 = arith.constant 64 : i32
          %add3A_208 = arith.addi %add3A_207, %add3A_135 : i32
          %get3A_209 = arith.index_cast %add3A_208 : i32 to index
          %get3A_210 = arith.constant 96 : index
          %get3A_211 = tpu.vector_load %arg9[%get3A_209, %get3A_210] {strides = array<i32>} : memref<128x128xf32, #tpu.memory_space<vmem>>, vector<1x16xf32>,
          %get3A_212 = vector.shape_cast %get3A_211 : vector<1x16xf32> to vector<16xf32>
          %add3A_213 = arith.constant 64 : i32
          %add3A_214 = arith.addi %add3A_213, %add3A_135 : i32
          %get3A_215 = arith.index_cast %add3A_214 : i32 to index
          %get3A_216 = arith.constant 112 : index
          %get3A_217 = tpu.vector_load %arg9[%get3A_215, %get3A_216] {strides = array<i32>} : memref<128x128xf32, #tpu.memory_space<vmem>>, vector<1x16xf32>,
          %get3A_218 = vector.shape_cast %get3A_217 : vector<1x16xf32> to vector<16xf32>
          %swap3A = arith.index_cast %add3A_135 : i32 to index
          %swap3A_219 = arith.constant 0 : index
          %swap3A_220 = tpu.vector_load %arg13[%swap3A, %swap3A_219] {strides = array<i32>} : memref<64x272xf32, #tpu.memory_space<vmem>>, vector<1x16xf32>,
          %swap3A_221 = vector.shape_cast %swap3A_220 : vector<1x16xf32> to vector<16xf32>
          %swap3A_222 = vector.shape_cast %get3A_138 : vector<16xf32> to vector<1x16xf32>
          tpu.vector_store %arg13[%swap3A, %swap3A_219], %swap3A_222 {strides = array<i32>} : memref<64x272xf32, #tpu.memory_space<vmem>>, vector<1x16xf32>,
          %swap3A_223 = arith.index_cast %add3A_135 : i32 to index
          %swap3A_224 = arith.constant 16 : index
          %swap3A_225 = tpu.vector_load %arg13[%swap3A_223, %swap3A_224] {strides = array<i32>} : memref<64x272xf32, #tpu.memory_space<vmem>>, vector<1x16xf32>,
          %swap3A_226 = vector.shape_cast %swap3A_225 : vector<1x16xf32> to vector<16xf32>
          %swap3A_227 = vector.shape_cast %get3A_142 : vector<16xf32> to vector<1x16xf32>
          tpu.vector_store %arg13[%swap3A_223, %swap3A_224], %swap3A_227 {strides = array<i32>} : memref<64x272xf32, #tpu.memory_space<vmem>>, vector<1x16xf32>,
          %swap3A_228 = arith.index_cast %add3A_135 : i32 to index
          %swap3A_229 = arith.constant 32 : index
          %swap3A_230 = tpu.vector_load %arg13[%swap3A_228, %swap3A_229] {strides = array<i32>} : memref<64x272xf32, #tpu.memory_space<vmem>>, vector<1x16xf32>,
          %swap3A_231 = vector.shape_cast %swap3A_230 : vector<1x16xf32> to vector<16xf32>
          %swap3A_232 = vector.shape_cast %get3A_146 : vector<16xf32> to vector<1x16xf32>
          tpu.vector_store %arg13[%swap3A_228, %swap3A_229], %swap3A_232 {strides = array<i32>} : memref<64x272xf32, #tpu.memory_space<vmem>>, vector<1x16xf32>,
          %swap3A_233 = arith.index_cast %add3A_135 : i32 to index
          %swap3A_234 = arith.constant 48 : index
          %swap3A_235 = tpu.vector_load %arg13[%swap3A_233, %swap3A_234] {strides = array<i32>} : memref<64x272xf32, #tpu.memory_space<vmem>>, vector<1x16xf32>,
          %swap3A_236 = vector.shape_cast %swap3A_235 : vector<1x16xf32> to vector<16xf32>
          %swap3A_237 = vector.shape_cast %get3A_150 : vector<16xf32> to vector<1x16xf32>
          tpu.vector_store %arg13[%swap3A_233, %swap3A_234], %swap3A_237 {strides = array<i32>} : memref<64x272xf32, #tpu.memory_space<vmem>>, vector<1x16xf32>,
          %swap3A_238 = arith.index_cast %add3A_135 : i32 to index
          %swap3A_239 = arith.constant 64 : index
          %swap3A_240 = tpu.vector_load %arg13[%swap3A_238, %swap3A_239] {strides = array<i32>} : memref<64x272xf32, #tpu.memory_space<vmem>>, vector<1x16xf32>,
          %swap3A_241 = vector.shape_cast %swap3A_240 : vector<1x16xf32> to vector<16xf32>
          %swap3A_242 = vector.shape_cast %get3A_154 : vector<16xf32> to vector<1x16xf32>
          tpu.vector_store %arg13[%swap3A_238, %swap3A_239], %swap3A_242 {strides = array<i32>} : memref<64x272xf32, #tpu.memory_space<vmem>>, vector<1x16xf32>,
          %swap3A_243 = arith.index_cast %add3A_135 : i32 to index
          %swap3A_244 = arith.constant 80 : index
          %swap3A_245 = tpu.vector_load %arg13[%swap3A_243, %swap3A_244] {strides = array<i32>} : memref<64x272xf32, #tpu.memory_space<vmem>>, vector<1x16xf32>,
          %swap3A_246 = vector.shape_cast %swap3A_245 : vector<1x16xf32> to vector<16xf32>
          %swap3A_247 = vector.shape_cast %get3A_158 : vector<16xf32> to vector<1x16xf32>
          tpu.vector_store %arg13[%swap3A_243, %swap3A_244], %swap3A_247 {strides = array<i32>} : memref<64x272xf32, #tpu.memory_space<vmem>>, vector<1x16xf32>,
          %swap3A_248 = arith.index_cast %add3A_135 : i32 to index
          %swap3A_249 = arith.constant 96 : index
          %swap3A_250 = tpu.vector_load %arg13[%swap3A_248, %swap3A_249] {strides = array<i32>} : memref<64x272xf32, #tpu.memory_space<vmem>>, vector<1x16xf32>,
          %swap3A_251 = vector.shape_cast %swap3A_250 : vector<1x16xf32> to vector<16xf32>
          %swap3A_252 = vector.shape_cast %get3A_162 : vector<16xf32> to vector<1x16xf32>
          tpu.vector_store %arg13[%swap3A_248, %swap3A_249], %swap3A_252 {strides = array<i32>} : memref<64x272xf32, #tpu.memory_space<vmem>>, vector<1x16xf32>,
          %swap3A_253 = arith.index_cast %add3A_135 : i32 to index
          %swap3A_254 = arith.constant 112 : index
          %swap3A_255 = tpu.vector_load %arg13[%swap3A_253, %swap3A_254] {strides = array<i32>} : memref<64x272xf32, #tpu.memory_space<vmem>>, vector<1x16xf32>,
          %swap3A_256 = vector.shape_cast %swap3A_255 : vector<1x16xf32> to vector<16xf32>
          %swap3A_257 = vector.shape_cast %get3A_166 : vector<16xf32> to vector<1x16xf32>
          tpu.vector_store %arg13[%swap3A_253, %swap3A_254], %swap3A_257 {strides = array<i32>} : memref<64x272xf32, #tpu.memory_space<vmem>>, vector<1x16xf32>,
          %swap3A_258 = arith.index_cast %add3A_135 : i32 to index
          %swap3A_259 = arith.constant 128 : index
          %swap3A_260 = tpu.vector_load %arg13[%swap3A_258, %swap3A_259] {strides = array<i32>} : memref<64x272xf32, #tpu.memory_space<vmem>>, vector<1x16xf32>,
          %swap3A_261 = vector.shape_cast %swap3A_260 : vector<1x16xf32> to vector<16xf32>
          %swap3A_262 = vector.shape_cast %get3A_170 : vector<16xf32> to vector<1x16xf32>
          tpu.vector_store %arg13[%swap3A_258, %swap3A_259], %swap3A_262 {strides = array<i32>} : memref<64x272xf32, #tpu.memory_space<vmem>>, vector<1x16xf32>,
          %swap3A_263 = arith.index_cast %add3A_135 : i32 to index
          %swap3A_264 = arith.constant 144 : index
          %swap3A_265 = tpu.vector_load %arg13[%swap3A_263, %swap3A_264] {strides = array<i32>} : memref<64x272xf32, #tpu.memory_space<vmem>>, vector<1x16xf32>,
          %swap3A_266 = vector.shape_cast %swap3A_265 : vector<1x16xf32> to vector<16xf32>
          %swap3A_267 = vector.shape_cast %get3A_176 : vector<16xf32> to vector<1x16xf32>
          tpu.vector_store %arg13[%swap3A_263, %swap3A_264], %swap3A_267 {strides = array<i32>} : memref<64x272xf32, #tpu.memory_space<vmem>>, vector<1x16xf32>,
          %swap3A_268 = arith.index_cast %add3A_135 : i32 to index
          %swap3A_269 = arith.constant 160 : index
          %swap3A_270 = tpu.vector_load %arg13[%swap3A_268, %swap3A_269] {strides = array<i32>} : memref<64x272xf32, #tpu.memory_space<vmem>>, vector<1x16xf32>,
          %swap3A_271 = vector.shape_cast %swap3A_270 : vector<1x16xf32> to vector<16xf32>
          %swap3A_272 = vector.shape_cast %get3A_182 : vector<16xf32> to vector<1x16xf32>
          tpu.vector_store %arg13[%swap3A_268, %swap3A_269], %swap3A_272 {strides = array<i32>} : memref<64x272xf32, #tpu.memory_space<vmem>>, vector<1x16xf32>,
          %swap3A_273 = arith.index_cast %add3A_135 : i32 to index
          %swap3A_274 = arith.constant 176 : index
          %swap3A_275 = tpu.vector_load %arg13[%swap3A_273, %swap3A_274] {strides = array<i32>} : memref<64x272xf32, #tpu.memory_space<vmem>>, vector<1x16xf32>,
          %swap3A_276 = vector.shape_cast %swap3A_275 : vector<1x16xf32> to vector<16xf32>
          %swap3A_277 = vector.shape_cast %get3A_188 : vector<16xf32> to vector<1x16xf32>
          tpu.vector_store %arg13[%swap3A_273, %swap3A_274], %swap3A_277 {strides = array<i32>} : memref<64x272xf32, #tpu.memory_space<vmem>>, vector<1x16xf32>,
          %swap3A_278 = arith.index_cast %add3A_135 : i32 to index
          %swap3A_279 = arith.constant 192 : index
          %swap3A_280 = tpu.vector_load %arg13[%swap3A_278, %swap3A_279] {strides = array<i32>} : memref<64x272xf32, #tpu.memory_space<vmem>>, vector<1x16xf32>,
          %swap3A_281 = vector.shape_cast %swap3A_280 : vector<1x16xf32> to vector<16xf32>
          %swap3A_282 = vector.shape_cast %get3A_194 : vector<16xf32> to vector<1x16xf32>
          tpu.vector_store %arg13[%swap3A_278, %swap3A_279], %swap3A_282 {strides = array<i32>} : memref<64x272xf32, #tpu.memory_space<vmem>>, vector<1x16xf32>,
          %swap3A_283 = arith.index_cast %add3A_135 : i32 to index
          %swap3A_284 = arith.constant 208 : index
          %swap3A_285 = tpu.vector_load %arg13[%swap3A_283, %swap3A_284] {strides = array<i32>} : memref<64x272xf32, #tpu.memory_space<vmem>>, vector<1x16xf32>,
          %swap3A_286 = vector.shape_cast %swap3A_285 : vector<1x16xf32> to vector<16xf32>
          %swap3A_287 = vector.shape_cast %get3A_200 : vector<16xf32> to vector<1x16xf32>
          tpu.vector_store %arg13[%swap3A_283, %swap3A_284], %swap3A_287 {strides = array<i32>} : memref<64x272xf32, #tpu.memory_space<vmem>>, vector<1x16xf32>,
          %swap3A_288 = arith.index_cast %add3A_135 : i32 to index
          %swap3A_289 = arith.constant 224 : index
          %swap3A_290 = tpu.vector_load %arg13[%swap3A_288, %swap3A_289] {strides = array<i32>} : memref<64x272xf32, #tpu.memory_space<vmem>>, vector<1x16xf32>,
          %swap3A_291 = vector.shape_cast %swap3A_290 : vector<1x16xf32> to vector<16xf32>
          %swap3A_292 = vector.shape_cast %get3A_206 : vector<16xf32> to vector<1x16xf32>
          tpu.vector_store %arg13[%swap3A_288, %swap3A_289], %swap3A_292 {strides = array<i32>} : memref<64x272xf32, #tpu.memory_space<vmem>>, vector<1x16xf32>,
          %swap3A_293 = arith.index_cast %add3A_135 : i32 to index
          %swap3A_294 = arith.constant 240 : index
          %swap3A_295 = tpu.vector_load %arg13[%swap3A_293, %swap3A_294] {strides = array<i32>} : memref<64x272xf32, #tpu.memory_space<vmem>>, vector<1x16xf32>,
          %swap3A_296 = vector.shape_cast %swap3A_295 : vector<1x16xf32> to vector<16xf32>
          %swap3A_297 = vector.shape_cast %get3A_212 : vector<16xf32> to vector<1x16xf32>
          tpu.vector_store %arg13[%swap3A_293, %swap3A_294], %swap3A_297 {strides = array<i32>} : memref<64x272xf32, #tpu.memory_space<vmem>>, vector<1x16xf32>,
          %swap3A_298 = arith.index_cast %add3A_135 : i32 to index
          %swap3A_299 = arith.constant 256 : index
          %swap3A_300 = tpu.vector_load %arg13[%swap3A_298, %swap3A_299] {strides = array<i32>} : memref<64x272xf32, #tpu.memory_space<vmem>>, vector<1x16xf32>,
          %swap3A_301 = vector.shape_cast %swap3A_300 : vector<1x16xf32> to vector<16xf32>
          %swap3A_302 = vector.shape_cast %get3A_218 : vector<16xf32> to vector<1x16xf32>
          tpu.vector_store %arg13[%swap3A_298, %swap3A_299], %swap3A_302 {strides = array<i32>} : memref<64x272xf32, #tpu.memory_space<vmem>>, vector<1x16xf32>,
        }
        %scan3A_125 = arith.constant 64 : i32
        %mul3A_126 = arith.constant 64 : i32
        %mul3A_127 = arith.muli %add3A_51, %mul3A_126 : i32
        %dma_start3A = arith.constant 0 : i32
        %dma_start3A_128 = tpu.memref_slice %arg5[%mul3A_127, %dma_start3A] : memref<320000x272xf32, #tpu.memory_space<hbm>> -> memref<64x272xf32, #tpu.memory_space<hbm>>
        %dma_start3A_129 = arith.constant 0 : i32
        %dma_start3A_130 = tpu.memref_slice %arg5[%mul3A_127, %dma_start3A_129] : memref<320000x272xf32, #tpu.memory_space<hbm>> -> memref<64x272xf32, #tpu.memory_space<hbm>>
        tpu.enqueue_dma source(%arg13 : memref<64x272xf32, #tpu.memory_space<vmem>>) target(%dma_start3A_130 : memref<64x272xf32, #tpu.memory_space<hbm>>) target_semaphore(%arg27 : memref<!tpu.dma_semaphore, #tpu.memory_space<semaphore_mem>>)
      } else {
      }
    }
    %scan3A_18 = arith.constant 79 : i32
    %dma_wait3A = arith.constant 0 : i32
    %dma_wait3A_19 = arith.constant 0 : i32
    %dma_wait3A_20 = tpu.memref_slice %arg5[%dma_wait3A, %dma_wait3A_19] : memref<320000x272xf32, #tpu.memory_space<hbm>> -> memref<64x272xf32, #tpu.memory_space<hbm>>
    %dma_wait3A_21 = arith.constant 0 : i32
    %dma_wait3A_22 = arith.constant 0 : i32
    %dma_wait3A_23 = tpu.memref_slice %arg5[%dma_wait3A_21, %dma_wait3A_22] : memref<320000x272xf32, #tpu.memory_space<hbm>> -> memref<64x272xf32, #tpu.memory_space<hbm>>
    tpu.wait_dma2 semaphore(%arg26 : memref<!tpu.dma_semaphore, #tpu.memory_space<semaphore_mem>>) src(%arg12 : memref<64x272xf32, #tpu.memory_space<vmem>>) dst(%dma_wait3A_23 : memref<64x272xf32, #tpu.memory_space<hbm>>)
    %dma_wait3A_24 = arith.constant 0 : i32
    %dma_wait3A_25 = arith.constant 0 : i32
    %dma_wait3A_26 = tpu.memref_slice %arg5[%dma_wait3A_24, %dma_wait3A_25] : memref<320000x272xf32, #tpu.memory_space<hbm>> -> memref<64x272xf32, #tpu.memory_space<hbm>>
    %dma_wait3A_27 = arith.constant 0 : i32
    %dma_wait3A_28 = arith.constant 0 : i32
    %dma_wait3A_29 = tpu.memref_slice %arg5[%dma_wait3A_27, %dma_wait3A_28] : memref<320000x272xf32, #tpu.memory_space<hbm>> -> memref<64x272xf32, #tpu.memory_space<hbm>>
    tpu.wait_dma2 semaphore(%arg27 : memref<!tpu.dma_semaphore, #tpu.memory_space<semaphore_mem>>) src(%arg13 : memref<64x272xf32, #tpu.memory_space<vmem>>) dst(%dma_wait3A_29 : memref<64x272xf32, #tpu.memory_space<hbm>>)
    return
  }
}

</mosaic_0001>

<sc_bundles>
// kernel: kernel.3.cloned.1.call-start
scs
__scs_entry_jumppad:
0x0: {  	(pc) =	sbr.rel $0x88, $3  }
0x1: {  	(tag) =	ssettag $0x0;
	lr =	simm.s32 $0x1  }
0x2: {  	[smem:$0x3F9E] =	sst lr;
	_ =	strace $0xD0000000  }
0x3: {  	_ = 	snop  }
0x4: {  	_ = 	snop  }
0x5: {  	_ = 	snop  }
0x6: {  	_ = 	snop  }
0x7: {  	_ = 	snop  }
__scs_overlays_trampoline_lowered:
0x8: {  	[smem:$0x3FAD] =	sst s0  }
0x9: {  	[smem:$0x3FAE] =	sst s1  }
0xa: {  	[smem:$0x3FAF] =	sst s2  }
0xb: {  	[smem:$0x3FB0] =	sst s3  }
0xc: {  	[smem:$0x3FB1] =	sst s4  }
0xd: {  	[smem:$0x3FB2] =	sst s5  }
0xe: {  	[smem:$0x3FB3] =	sst s6  }
0xf: {  	[smem:$0x3FB4] =	sst s7  }
0x10: {  	[smem:$0x3FB5] =	sst s8  }
0x11: {  	[smem:$0x3FB6] =	sst s9;
	s0 =	simm.s32 @!p0 $0x0  }
0x12: {  	s1 =	sld [smem:$0x3F9C];
	s0 =	simm.s32 @p0 $0x1  }
0x13: {  	[smem:$0x3FB7] =	sst s0;
	s0 =	simm.s32 @!p1 $0x0  }
0x14: {  	s2 =	sld [smem:$0x3F9B];
	s0 =	simm.s32 @p1 $0x1  }
0x15: {  	[smem:$0x3FB8] =	sst s0;
	s0 =	simm.s32 @!p2 $0x0  }
0x16: {  	s3 =	sld [smem:$0x3FDB];
	s0 =	simm.s32 @p2 $0x1  }
0x17: {  	s4 =	simm.s32 $0x1BF5;
	[smem:$0x3FBA] =	sst s0  }
0x18: {  	s0 =	sld [smem:$0x3F9D];
	_ =	swait.ge [sflag:s4], $0x0  }
0x19: {  	s7 =	sld [smem:$0x3F9E]  }
0x1a: {  	s8 =	sadd.s32 $0xFFFFE003, lr  }
0x1b: {  	s9 =	sadd.s32 $0xFFFFFEF7, lr;
	s5 =	simm.s32 $0xFFFFFFFF;
	p2 =	slt.u32 s8, $0xFFFFF086  }
0x1c: {  	p1 =	slt.u32 s9, $0xF7A;
	s5 =	simm.s32 @!p2 $0x0  }
0x1d: {  	s5 =	simm.s32 @p1 $0x1;
	p0 =	seq.s32 s7, s2  }
0x1e: {  	s7 =	smul.u32 @!p0 $0xF7A, s2;
	p2 =	seq.s32 @!p0 s5, $0x0  }
0x1f: {  	s9 =	smul.u32 $0xF7A, s1;
	s8 =	simm.s32 @!p0 $0x1BF5;
	p2 =	por !p2, p0  }
0x20: {  	[sflag:s8] =	ssyncset.s32 @!p0 $0xFFFFF086;
	s6 =	sadd.s32 @!p0 s3, s7;
	s7 =	simm.s32 @!p0 $0x108  }
0x21: {  	s3 =	sadd.s32 s3, s9;
	s6 =	sadd.s32 @!p0 $0x88, s6;
	s7 =	simm.s32 @p2 $0x1082  }
0x22: {  	[simem:s7], [sflag:s8] =	dma.local @!p0 [hbm:s6], $0xF7A  }
0x23: {  	s9 =	sor.u32 $0xD0000000, s2;
	s6 =	simm.s32 $0x108;
	_ =	swait.ge @!p0 [sflag:s8], $0x0  }
0x24: {  	s3 =	sadd.s32 $0x88, s3;
	s6 =	simm.s32 @!p1 $0x1082;
	[sflag:s4] =	ssyncset.s32 $0xFFFFF086  }
0x25: {  	[simem:s6], [sflag:s4] =	dma.local [hbm:s3], $0xF7A  }
0x26: {  	[smem:$0x3F9E] =	sst s1;
	(tag) =	ssettag s2;
	_ =	strace s9  }
0x27: {  	s1 =	sld [smem:$0x3FAE]  }
0x28: {  	s2 =	sld [smem:$0x3FAF]  }
0x29: {  	s4 =	sld [smem:$0x3FB1]  }
0x2a: {  	p0 =	seq.s32 s5, $0x0;
	s5 =	sld [smem:$0x3FB2]  }
0x2b: {  	s6 =	sld [smem:$0x3FB3]  }
0x2c: {  	s7 =	sld [smem:$0x3FB4]  }
0x2d: {  	s3 =	simm.s32 $0x108;
	s8 =	sld [smem:$0x3FB5]  }
0x2e: {  	s3 =	simm.s32 @!p0 $0x1082;
	s9 =	sld [smem:$0x3FB6]  }
0x2f: {  	lr =	sadd.s32 s0, s3;
	s0 =	sld [smem:$0x3FAD]  }
0x30: {  	s3 =	sld [smem:$0x3FB0]  }
0x31: {  	[smem:$0x3FB9] =	sst s10  }
0x32: {  	s10 =	sld [smem:$0x3FB7];
	_ =	sdelay $0x3  }
0x33: {  	p0 =	seq.s32 s10, $0x1;
	s10 =	sld [smem:$0x3FB9];
	_ =	sdelay $0x3  }
0x34: {  	[smem:$0x3FB9] =	sst s10  }
0x35: {  	s10 =	sld [smem:$0x3FB8];
	_ =	sdelay $0x3  }
0x36: {  	p1 =	seq.s32 s10, $0x1;
	s10 =	sld [smem:$0x3FB9];
	_ =	sdelay $0x3  }
0x37: {  	[smem:$0x3FB9] =	sst s10  }
0x38: {  	s10 =	sld [smem:$0x3FBA]  }
0x39: {  	_ = 	snop;
	(pc) =	sbr.ind lr, $3  }
0x3a: {  	_ = 	snop  }
0x3b: {  	_ = 	snop  }
0x3c: {  	p2 =	seq.s32 s10, $0x1;
	s10 =	sld [smem:$0x3FB9]  }
0x3d: {  	_ =	shalt  }
0x3e: {  	_ =	shalt  }
0x3f: {  	_ =	shalt  }
0x40: {  	_ =	shalt  }
0x41: {  	_ =	shalt  }
0x42: {  	_ =	shalt  }
0x43: {  	_ =	shalt  }
0x44: {  	_ =	shalt  }
0x45: {  	_ =	shalt  }
0x46: {  	_ =	shalt  }
0x47: {  	_ =	shalt  }
0x48: {  	_ =	shalt  }
0x49: {  	_ =	shalt  }
0x4a: {  	_ =	shalt  }
0x4b: {  	_ =	shalt  }
0x4c: {  	_ =	shalt  }
0x4d: {  	_ =	shalt  }
0x4e: {  	_ =	shalt  }
0x4f: {  	_ =	shalt  }
0x50: {  	_ =	shalt  }
0x51: {  	_ =	shalt  }
0x52: {  	_ =	shalt  }
0x53: {  	_ =	shalt  }
0x54: {  	_ =	shalt  }
0x55: {  	_ =	shalt  }
0x56: {  	_ =	shalt  }
0x57: {  	_ =	shalt  }
0x58: {  	_ =	shalt  }
0x59: {  	_ =	shalt  }
0x5a: {  	_ =	shalt  }
0x5b: {  	_ =	shalt  }
0x5c: {  	_ =	shalt  }
0x5d: {  	_ =	shalt  }
0x5e: {  	_ =	shalt  }
0x5f: {  	_ =	shalt  }
0x60: {  	_ =	shalt  }
0x61: {  	_ =	shalt  }
0x62: {  	_ =	shalt  }
0x63: {  	_ =	shalt  }
0x64: {  	_ =	shalt  }
0x65: {  	_ =	shalt  }
0x66: {  	_ =	shalt  }
0x67: {  	_ =	shalt  }
0x68: {  	_ =	shalt  }
0x69: {  	_ =	shalt  }
0x6a: {  	_ =	shalt  }
0x6b: {  	_ =	shalt  }
0x6c: {  	_ =	shalt  }
0x6d: {  	_ =	shalt  }
0x6e: {  	_ =	shalt  }
0x6f: {  	_ =	shalt  }
0x70: {  	_ =	shalt  }
0x71: {  	_ =	shalt  }
0x72: {  	_ =	shalt  }
0x73: {  	_ =	shalt  }
0x74: {  	_ =	shalt  }
0x75: {  	_ =	shalt  }
0x76: {  	_ =	shalt  }
0x77: {  	_ =	shalt  }
0x78: {  	_ =	shalt  }
0x79: {  	_ =	shalt  }
0x7a: {  	_ =	shalt  }
0x7b: {  	_ =	shalt  }
0x7c: {  	_ =	shalt  }
0x7d: {  	_ =	shalt  }
0x7e: {  	_ =	shalt  }
0x7f: {  	_ =	shalt  }
0x80: {  	_ =	shalt  }
0x81: {  	_ =	shalt  }
0x82: {  	_ =	shalt  }
0x83: {  	_ =	shalt  }
0x84: {  	_ =	shalt  }
0x85: {  	_ =	shalt  }
0x86: {  	_ =	shalt  }
0x87: {  	_ =	shalt  }
.Lfunc_end0:
.L_simem_size_0:
called_computation_lowered:
.L_overlay_start_0:
0x88: {  	s2 =	sld [smem:$0x3FD9]  }
0x89: {  	s3 =	sld [smem:$0x3FFE];
	_ =	sdelay $0x1  }
0x8a: {  	s1 =	srdreg.scid  }
0x8b: {  	s0 =	sand.u32 $0x1, s1  }
0x8c: {  	s17 =	sshll.u32 s0, $0xA;
	s2 =	sadd.s32 s3, s2  }
0x8d: {  	s2 =	sadd.s32 s2, s17  }
0x8e: {  	[smem:$0x3FC5] =	sst s2  }
0x8f: {  	_ = 	snop  }
0x90: {  	s2 =	sld [smem:$0x3FC7]  }
0x91: {  	s18 =	sld [smem:$0x3FD0];
	(tm) =	ssettm $0x1  }
0x92: {  	s4 =	sld [smem:$0x3FFB];
	_ =	sdelay $0x3  }
0x93: {  	_ =	strace s4  }
0x94: {  	s4 =	sld [smem:$0x3FFC];
	_ =	sdelay $0x3  }
0x95: {  	_ =	strace s4  }
0x96: {  	s4 =	sld [smem:$0x3FFD];
	_ =	sdelay $0x3  }
0x97: {  	_ =	strace s4  }
0x98: {  	_ =	strace $0x8FFFFFFF  }
0x99: {  	s19 =	sld [smem:$0x3FDB];
	_ =	sdelay $0x1  }
0x9a: {  	s5 =	simm.s32 $_scs_section_size  }
0x9b: {  	s6 =	simm.s32 $_size__tile_overlayer_lowered;
	s7 =	simm.s32 $_tile_overlayer_lowered  }
0x9c: {  	s22 =	simm.s32 $0x1BFF;
	s21 =	sshll.u32 s7, $0x1;
	s4 =	sadd.s32 s5, s19  }
0x9d: {  	s8 =	simm.s32 $0x0;
	s20 =	sshll.u32 s6, $0x1;
	s6 =	sadd.s32 s21, s4  }
0x9e: {  	[timem:s8], [sflag:s22] =	dma.local [hbm:s6], s20  }
0x9f: {  	_ =	swait.ge [sflag:s22], s20  }
0xa0: {  	s5 =	ssub.s32 $0x0, s20;
	[sflag:s22] =	ssyncset.done $0x0  }
0xa1: {  	[sflag:s22] =	ssyncadd.s32 s5;
	_ =	sdelay $0x1  }
0xa2: {  	s23 =	simm.s32 $0x1B8B  }
0xa3: {  	_ =	swait.ge [sflag:s23], $0x1  }
0xa4: {  	[sflag:s23] =	ssyncset.done $0x0  }
0xa5: {  	s25 =	simm.s32 $0x1B8E;
	s24 =	sld [smem:$0x3FFE];
	[sflag:s23] =	ssyncadd.s32 $0xFFFFFFFF  }
0xa6: {  	s26 =	simm.s32 $execute0_lowered;
	[smem:$0x3FD2] =	sst s25  }
0xa7: {  	s6 =	sshll.u32 s26, $0x1;
	_ =	strace $0x80000046;
	[dreg:$0x1] =	wrdreg $0xFFFFFFFF  }
0xa8: {  	s28 =	simm.s32 $_size_execute0_lowered;
	s4 =	sadd.s32 s4, s6;
	[dreg:$0x0] =	wrdreg $0x0  }
0xa9: {  	s6 =	sshll.u32 s28, $0x1;
	[dreg:$0x2] =	wrdreg s4  }
0xaa: {  	[dreg:$0x3] =	wrdreg s6  }
0xab: {  	[dreg:$0x4] =	wrdreg $0xC0  }
0xac: {  	_ =	task [dreg:s8], $0x5FFFF  }
0xad: {  	[dreg:$0x1] =	wrdreg $0xFFFFFFFF  }
0xae: {  	[dreg:$0x0] =	wrdreg $0x60  }
0xaf: {  	[dreg:$0x2] =	wrdreg s2  }
0xb0: {  	[dreg:$0x3] =	wrdreg s24  }
0xb1: {  	[dreg:$0x4] =	wrdreg s18  }
0xb2: {  	[dreg:$0x5] =	wrdreg $0x9  }
0xb3: {  	_ =	task.clear_ibuf [dreg:s8], $0x6FFFF;
	_ =	strace $0x90000046  }
0xb4: {  	s29 =	simm.s32 $0x9;
	_ =	strace $0x80000048  }
0xb5: {  	_ =	swait.ge [sflag:s29], $0x1  }
0xb6: {  	[sflag:s29] =	ssyncadd.s32 $0xFFFFFFFF  }
0xb7: {  	_ =	strace $0x90000048  }
0xb8: {  	_ =	sfence  }
0xb9: {  	s30 =	sld [smem:$0x0];
	_ =	sdelay $0x2  }
0xba: {  	s31 =	sshll.u32 s1, $0xD;
	s1 =	sshrl.u32 s1, $0x2  }
0xbb: {  	s3 =	sand.u32 $0x4000, s31;
	s1 =	sadd.s32 s1, s30  }
0xbc: {  	s0 =	sor.u32 s3, s0;
	s1 =	sshll.u32 s1, $0x11  }
0xbd: {  	s0 =	sor.u32 s1, s0  }
0xbe: {  	s0 =	sadd.s32 $0x8F2B, s0  }
0xbf: {  	[sflag:s0] =	ssyncadd.remote.s32 $0x1  }
0xc0: {  	_ =	sfence.sel $0xFFFF  }
0xc1: {  	[dreg:$0x0] =	wrdreg $0xFFFFFFFF;
	(pc) =	sbr.abs _section_cstart, $3  }
0xc2: {  	[dreg:$0x1] =	wrdreg $0xFFFFFFFF  }
0xc3: {  	_ =	task.clear_ibuf [dreg:s8], $0x2FFFF;
	_ =	strace $0x9FFFFFFF  }
0xc4: {  	(tm) =	ssettm $0x7FFFFFFF  }
0xc5: {  	_ =	shalt  }
tec
execute0_lowered:
.L_overlay_start_1:
0x0: {  	(tag) =	ssettag $0x1  }
0x1: {  	s1 =	rddreg [dreg:$0x0]  }
0x2: {  	s0 =	rddreg [dreg:$0x1]  }
0x3: {  	s3 =	rddreg [dreg:$0x2];
	s4 =	simm.s32 $0x0  }
0x4: {  	s2 =	srdreg.scid;
	s5 =	stileid.u32;
	s15 =	simm.s32 $0x20  }
0x5: {  	s23 =	simm.s32 $0x3;
	s28 =	simm.s32 $0xB;
	s29 =	simm.s32 $0xC100  }
0x6: {  	s30 =	simm.s32 $0x7;
	s31 =	simm.s32 $0x8;
	s13 =	simm.s32 $0xC  }
0x7: {  	s16 =	simm.s32 $0x12100;
	s18 =	simm.s32 $0xE;
	s19 =	simm.s32 $0x0  }
0x8: {  	[smem:$0x7FF] =	sst s4;
	s2 =	sand.u32 $0x1, s2;
	s5 =	sshll.u32 s5, $0x1  }
0x9: {  	s6 =	sadd.s32 $0x13A00, s0;
	s10 =	sadd.s32 $0x400, s0;
	s11 =	sadd.s32 $0x8000, s3  }
0xa: {  	_ =	strace $0x80000047;
	s7 =	ssub.s32 $0x2, s2;
	s5 =	sor.u32 s2, s5  }
0xb: {  	s24 =	sshrl.u32 s7, $0x1;
	s8 =	sshll.u32 s5, $0x4;
	s25 =	sshll.u32 s5, $0xA  }
.Ltmp0:
0xc: {  	s2 =	ssub.s32 s7, s24;
	s8 =	sadd.s32 s0, s8;
	(pc) =	sbr.rel .LBB2_1-.Ltmp0, $4  }
0xd: {  	s7 =	sadd.s32 s3, s25;
	s24 =	simm.s32 $0x4;
	[dreg:$0x4] =	wrdreg s8  }
0xe: {  	s25 =	simm.s32 $0x5;
	s8 =	sadd.s32 $0x200, s8;
	[dreg:$0x6] =	wrdreg s7  }
0xf: {  	s0 =	simm.s32 $0x9;
	s26 =	smax.u32 s2, $0x1;
	[dreg:$0x5] =	wrdreg s8  }
0x10: {  	s2 =	simm.s32 $0xA;
	[dreg:$0x7] =	wrdreg s26;
	s26 =	simm.s32 $0x6  }
.LBB2_10:
0x11: {  	s7 =	simm.s32 $0xD  }
0x12: {  	_ =	swait.ge [sflag:s7], $0x6000  }
0x13: {  	[sflag:s7] =	ssyncset.done $0x0  }
0x14: {  	[sflag:s7] =	ssyncadd.s32 $0xFFFFA000  }
0x15: {  	_ =	swait.ge [sflag:s18], $0x6000  }
0x16: {  	s19 =	sadd.s32 $0x1, s19;
	s22 =	rddreg [dreg:$0x7]  }
0x17: {  	p0 =	sne.s32 s19, s22  }
.Ltmp1:
0x18: {  	_ = 	snop;
	(pc) =	sbr.rel @!p0 .LBB2_11-.Ltmp1, $3  }
0x19: {  	_ =	sdelay $0x1  }
0x1a: {  	[sflag:s18] =	ssyncset.done $0x0  }
0x1b: {  	[sflag:s18] =	ssyncadd.s32 $0xFFFFA000  }
.LBB2_1:
0x1c: {  	s7 =	rddreg [dreg:$0x4]  }
0x1d: {  	[tilespmem:s4], [sflag:$0x1] =	stream.linear.gather [hbm4b:s7+s4], $0x80, $0x38;
	[tilespmem:$0x18100] =	vst v63  }
0x1e: {  	s21 =	rddreg [dreg:$0x5];
	s8 =	simm.s32 $0x80;
	s22 =	simm.s32 $0x1  }
0x1f: {  	[tilespmem:s8], [sflag:$0x2] =	stream.linear.gather [hbm4b:s21+s4], $0x80, $0x38;
	[tilespmem:$0x18100] =	vst v63  }
0x20: {  	_ =	swait.ge [sflag:s22], $0x80  }
0x21: {  	[sflag:s22] =	ssyncset.done $0x0  }
0x22: {  	s8 =	simm.s32 $0x100;
	[sflag:s22] =	ssyncadd.s32 $0xFFFFFF80  }
0x23: {  	[tilespmem:s8], [sflag:$0x3] =	stream.indirect.gather [hbm4b:s1+s15], $0x80, s4, s15, $0xb8;
	[tilespmem:$0x18100] =	vst v63  }
0x24: {  	s9 =	simm.s32 $0x1100  }
0x25: {  	[tilespmem:s9], [sflag:$0x4] =	stream.indirect.gather [hbm4b:s1+s15], $0x80, s15, s15, $0xb8;
	[tilespmem:$0x18100] =	vst v63  }
0x26: {  	s12 =	simm.s32 $0x40;
	s14 =	simm.s32 $0x2100  }
0x27: {  	[tilespmem:s14], [sflag:$0x5] =	stream.indirect.gather [hbm4b:s1+s15], $0x80, s12, s15, $0xb8;
	[tilespmem:$0x18100] =	vst v63  }
.Ltmp2:
0x28: {  	_ = 	snop;
	(pc) =	sbr.rel .LBB2_2-.Ltmp2, $4  }
0x29: {  	s17 =	simm.s32 $0x60;
	s20 =	simm.s32 $0x3100  }
0x2a: {  	[tilespmem:s20], [sflag:$0x6] =	stream.indirect.gather [hbm4b:s1+s15], $0x80, s17, s15, $0xb8;
	[tilespmem:$0x18100] =	vst v63  }
0x2b: {  	s21 =	rddreg [dreg:$0x6];
	s22 =	simm.s32 $0x8100;
	s20 =	simm.s32 $0x0  }
0x2c: {  	[tilespmem:s22], [sflag:$0xB] =	stream.linear.gather [hbm4b:s21+s4], $0x2000, $0x38;
	[tilespmem:$0x18100] =	vst v63  }
.LBB2_9:
0x2d: {  	s20 =	sadd.s32 $0x1, s20  }
0x2e: {  	p0 =	sne.s32 s20, $0x4F  }
.Ltmp3:
0x2f: {  	_ = 	snop;
	(pc) =	sbr.rel @!p0 .LBB2_10-.Ltmp3, $1  }
0x30: {  	_ =	sdelay $0x3  }
.LBB2_2:
0x31: {  	s7 =	sshll.u32 s20, $0x6  }
0x32: {  	s22 =	sor.u32 s5, s7  }
0x33: {  	p0 =	sgt.u32 s22, $0x1387  }
.Ltmp4:
0x34: {  	_ = 	snop;
	(pc) =	sbr.rel @p0 .LBB2_9-.Ltmp4, $1  }
0x35: {  	_ =	sdelay $0x3  }
0x36: {  	s21 =	sor.u32 $0x20, s22  }
0x37: {  	p1 =	sgt.u32 s21, $0x1387  }
0x38: {  	s7 =	simm.s32 @!p1 $0x2  }
0x39: {  	_ =	swait.ge @!p1 [sflag:s7], $0x80  }
0x3a: {  	s8 =	simm.s32 @!p1 $0x80;
	[sflag:s7] =	ssyncset.done @!p1 $0x0  }
0x3b: {  	s9 =	simm.s32 @!p1 $0x4100;
	[sflag:s7] =	ssyncadd.s32 @!p1 $0xFFFFFF80;
	s7 =	simm.s32 @!p1 $0x20  }
0x3c: {  	[tilespmem:s9], [sflag:$0x7] =	stream.indirect.gather @!p1 [hbm4b:s1+s7], $0x80, s8, s7, $0xb8;
	[tilespmem:$0x18100] =	vst v63  }
0x3d: {  	s8 =	simm.s32 @!p1 $0xA0;
	s9 =	simm.s32 @!p1 $0x5100  }
0x3e: {  	[tilespmem:s9], [sflag:$0x8] =	stream.indirect.gather @!p1 [hbm4b:s1+s7], $0x80, s8, s7, $0xb8;
	[tilespmem:$0x18100] =	vst v63  }
0x3f: {  	s8 =	simm.s32 @!p1 $0xC0;
	s9 =	simm.s32 @!p1 $0x6100  }
0x40: {  	[tilespmem:s9], [sflag:$0x9] =	stream.indirect.gather @!p1 [hbm4b:s1+s7], $0x80, s8, s7, $0xb8;
	[tilespmem:$0x18100] =	vst v63  }
0x41: {  	s8 =	simm.s32 @!p1 $0xE0;
	s9 =	simm.s32 @!p1 $0x7100  }
0x42: {  	[tilespmem:s9], [sflag:$0xA] =	stream.indirect.gather @!p1 [hbm4b:s1+s7], $0x80, s8, s7, $0xb8;
	[tilespmem:$0x18100] =	vst v63  }
0x43: {  	s7 =	sshll.u32 @!p1 s21, $0xA  }
0x44: {  	s8 =	simm.s32 @!p1 $0x0;
	s9 =	simm.s32 @!p1 $0xA100;
	s7 =	sadd.s32 @!p1 s3, s7  }
0x45: {  	[tilespmem:s9], [sflag:$0xC] =	stream.linear.gather @!p1 [hbm4b:s7+s8], $0x2000, $0x38;
	[tilespmem:$0x18100] =	vst v63  }
0x46: {  	_ =	swait.ge [sflag:s23], $0x1000  }
0x47: {  	[sflag:s23] =	ssyncset.done $0x0  }
0x48: {  	[sflag:s23] =	ssyncadd.s32 $0xFFFFF000  }
0x49: {  	_ =	swait.ge [sflag:s24], $0x1000  }
0x4a: {  	[sflag:s24] =	ssyncset.done $0x0  }
0x4b: {  	[sflag:s24] =	ssyncadd.s32 $0xFFFFF000  }
0x4c: {  	_ =	swait.ge [sflag:s25], $0x1000  }
0x4d: {  	[sflag:s25] =	ssyncset.done $0x0  }
0x4e: {  	[sflag:s25] =	ssyncadd.s32 $0xFFFFF000  }
0x4f: {  	_ =	swait.ge [sflag:s26], $0x1000  }
0x50: {  	[sflag:s26] =	ssyncset.done $0x0  }
0x51: {  	[sflag:s26] =	ssyncadd.s32 $0xFFFFF000  }
0x52: {  	p0 =	sgt.u32 s22, $0x1347;
	_ =	swait.ge [sflag:s28], $0x2000  }
0x53: {  	s7 =	sshll.u32 @!p0 s22, $0x4;
	[sflag:s28] =	ssyncset.done $0x0  }
0x54: {  	s8 =	simm.s32 @!p0 $0x0;
	s7 =	sadd.s32 @!p0 s7, s10;
	[sflag:s28] =	ssyncadd.s32 $0xFFFFE000  }
0x55: {  	[tilespmem:s8], [sflag:$0x1] =	stream.linear.gather @!p0 [hbm4b:s7+s8], $0x80, $0x38;
	[tilespmem:$0x18100] =	vst v63  }
0x56: {  	p0 =	seq.s32 s20, $0x0  }
0x57: {  	s7 =	simm.s32 @!p0 $0xD  }
0x58: {  	_ =	swait.ge @!p0 [sflag:s7], $0x6000  }
0x59: {  	[sflag:s7] =	ssyncset.done @!p0 $0x0  }
0x5a: {  	s12 =	simm.s32 $0x8100;
	[sflag:s7] =	ssyncadd.s32 @!p0 $0xFFFFA000  }
0x5b: {  	s14 =	simm.s32 $0x2100;
	v0 =	vld [tilespmem:s12+$0x0]  }
0x5c: {  	v1 =	vld [tilespmem:s14+$0xFFFFE000]  }
0x5d: {  	v2 =	vld [tilespmem:s14+$0xFFFFE010]  }
0x5e: {  	v3 =	vld [tilespmem:s14+$0xFFFFE020]  }
0x5f: {  	v4 =	vld [tilespmem:s14+$0xFFFFE030]  }
0x60: {  	v5 =	vld [tilespmem:s14+$0xFFFFE040]  }
0x61: {  	v6 =	vld [tilespmem:s14+$0xFFFFE050]  }
0x62: {  	v7 =	vld [tilespmem:s14+$0xFFFFE060]  }
0x63: {  	v8 =	vld [tilespmem:s14+$0xFFFFE070]  }
0x64: {  	v9 =	vld [tilespmem:s14+$0x0]  }
0x65: {  	v10 =	vld [tilespmem:s14+$0x10]  }
0x66: {  	s17 =	simm.s32 $0x0;
	v11 =	vld [tilespmem:s14+$0x70]  }
0x67: {  	s7 =	smul.u32 $0x3000, s17;
	v12 =	vld [tilespmem:s14+$0x20]  }
0x68: {  	s8 =	simm.s32 $0x0;
	v13 =	vld [tilespmem:s14+$0x30]  }
0x69: {  	v14 =	vld [tilespmem:s14+$0x40];
	s12 =	sand.u32 $0x380, s8;
	s7 =	sshra.s32 s7, $0x2  }
0x6a: {  	v15 =	vld [tilespmem:s14+$0x50];
	s7 =	sor.u32 s12, s7  }
0x6b: {  	v16 =	vld [tilespmem:s14+$0x60];
	[tilespmem:s7+$0xC900] =	vst v11  }
0x6c: {  	[tilespmem:s7+$0xC100] =	vst v0  }
0x6d: {  	[tilespmem:s7+$0xC110] =	vst v1  }
0x6e: {  	[tilespmem:s7+$0xC120] =	vst v2  }
0x6f: {  	[tilespmem:s7+$0xC130] =	vst v3  }
0x70: {  	[tilespmem:s7+$0xC140] =	vst v4  }
0x71: {  	[tilespmem:s7+$0xC150] =	vst v5  }
0x72: {  	[tilespmem:s7+$0xC160] =	vst v6  }
0x73: {  	[tilespmem:s7+$0xC170] =	vst v7  }
0x74: {  	[tilespmem:s7+$0xC500] =	vst v8  }
0x75: {  	[tilespmem:s7+$0xC510] =	vst v9  }
0x76: {  	[tilespmem:s7+$0xC520] =	vst v10  }
0x77: {  	[tilespmem:s7+$0xC530] =	vst v12  }
0x78: {  	[tilespmem:s7+$0xC540] =	vst v13  }
0x79: {  	[tilespmem:s7+$0xC550] =	vst v14  }
0x7a: {  	[tilespmem:s7+$0xC560] =	vst v15  }
0x7b: {  	s12 =	simm.s32 $0x8180;
	[tilespmem:s7+$0xC570] =	vst v16  }
0x7c: {  	s9 =	simm.s32 $0x2180;
	v0 =	vld [tilespmem:s12+$0x0]  }
0x7d: {  	v1 =	vld [tilespmem:s9+$0xFFFFE000]  }
0x7e: {  	v2 =	vld [tilespmem:s9+$0xFFFFE010]  }
0x7f: {  	v3 =	vld [tilespmem:s9+$0xFFFFE020]  }
0x80: {  	v4 =	vld [tilespmem:s9+$0xFFFFE030]  }
0x81: {  	v5 =	vld [tilespmem:s9+$0xFFFFE040]  }
0x82: {  	v6 =	vld [tilespmem:s9+$0xFFFFE050]  }
0x83: {  	v7 =	vld [tilespmem:s9+$0xFFFFE060]  }
0x84: {  	v8 =	vld [tilespmem:s9+$0xFFFFE070]  }
0x85: {  	v9 =	vld [tilespmem:s9+$0x0]  }
0x86: {  	v10 =	vld [tilespmem:s9+$0x10]  }
0x87: {  	s14 =	simm.s32 $0x0;
	s7 =	simm.s32 $0x2;
	v11 =	vld [tilespmem:s9+$0x70]  }
.LBB2_4:
0x88: {  	p2 =	sne.s32 s7, $0x3F;
	v12 =	vld [tilespmem:s9+$0x20];
	s14 =	smul.u32 $0x3000, s14  }
0x89: {  	s8 =	sadd.s32 $0x80, s8;
	v13 =	vld [tilespmem:s9+$0x30]  }
0x8a: {  	s17 =	sand.u32 $0x380, s8;
	v14 =	vld [tilespmem:s9+$0x40];
	s14 =	sshra.s32 s14, $0x2  }
0x8b: {  	v15 =	vld [tilespmem:s9+$0x50];
	s14 =	sor.u32 s17, s14  }
0x8c: {  	v16 =	vld [tilespmem:s9+$0x60];
	[tilespmem:s14+$0xC900] =	vst v11  }
0x8d: {  	[tilespmem:s14+$0xC100] =	vst v0  }
0x8e: {  	[tilespmem:s14+$0xC110] =	vst v1  }
0x8f: {  	[tilespmem:s14+$0xC120] =	vst v2  }
0x90: {  	[tilespmem:s14+$0xC130] =	vst v3  }
0x91: {  	[tilespmem:s14+$0xC140] =	vst v4  }
0x92: {  	[tilespmem:s14+$0xC150] =	vst v5  }
0x93: {  	[tilespmem:s14+$0xC160] =	vst v6  }
0x94: {  	[tilespmem:s14+$0xC170] =	vst v7  }
0x95: {  	[tilespmem:s14+$0xC500] =	vst v8  }
0x96: {  	[tilespmem:s14+$0xC510] =	vst v9  }
0x97: {  	[tilespmem:s14+$0xC520] =	vst v10  }
0x98: {  	[tilespmem:s14+$0xC530] =	vst v12  }
0x99: {  	[tilespmem:s14+$0xC540] =	vst v13  }
0x9a: {  	[tilespmem:s14+$0xC550] =	vst v14  }
0x9b: {  	[tilespmem:s14+$0xC560] =	vst v15  }
0x9c: {  	s12 =	sadd.s32 $0x80, s12;
	[tilespmem:s14+$0xC570] =	vst v16  }
0x9d: {  	s9 =	sadd.s32 $0x80, s9;
	v0 =	vld [tilespmem:s12+$0x0]  }
0x9e: {  	v1 =	vld [tilespmem:s9+$0xFFFFE000]  }
0x9f: {  	v2 =	vld [tilespmem:s9+$0xFFFFE010]  }
0xa0: {  	v3 =	vld [tilespmem:s9+$0xFFFFE020]  }
0xa1: {  	v4 =	vld [tilespmem:s9+$0xFFFFE030]  }
0xa2: {  	v5 =	vld [tilespmem:s9+$0xFFFFE040]  }
0xa3: {  	v6 =	vld [tilespmem:s9+$0xFFFFE050]  }
.Ltmp5:
0xa4: {  	v7 =	vld [tilespmem:s9+$0xFFFFE060];
	(pc) =	sbr.rel @p2 .LBB2_4-.Ltmp5, $4  }
0xa5: {  	v8 =	vld [tilespmem:s9+$0xFFFFE070]  }
0xa6: {  	v9 =	vld [tilespmem:s9+$0x0]  }
0xa7: {  	v10 =	vld [tilespmem:s9+$0x10]  }
0xa8: {  	s14 =	sshrl.u32 s7, $0x3;
	s7 =	sadd.s32 $0x1, s7;
	v11 =	vld [tilespmem:s9+$0x70]  }
0xa9: {  	v12 =	vld [tilespmem:s9+$0x20];
	s7 =	smul.u32 $0x3000, s14  }
0xaa: {  	v13 =	vld [tilespmem:s9+$0x30];
	s8 =	sadd.s32 $0x80, s8  }
0xab: {  	v14 =	vld [tilespmem:s9+$0x40];
	s8 =	sand.u32 $0x380, s8;
	s7 =	sshra.s32 s7, $0x2  }
0xac: {  	v15 =	vld [tilespmem:s9+$0x50];
	s7 =	sor.u32 s8, s7  }
0xad: {  	v16 =	vld [tilespmem:s9+$0x60];
	[tilespmem:s7+$0xC900] =	vst v11  }
0xae: {  	[tilespmem:s7+$0xC100] =	vst v0  }
0xaf: {  	[tilespmem:s7+$0xC110] =	vst v1  }
0xb0: {  	[tilespmem:s7+$0xC120] =	vst v2  }
0xb1: {  	[tilespmem:s7+$0xC130] =	vst v3  }
0xb2: {  	[tilespmem:s7+$0xC140] =	vst v4  }
0xb3: {  	[tilespmem:s7+$0xC150] =	vst v5  }
0xb4: {  	[tilespmem:s7+$0xC160] =	vst v6  }
0xb5: {  	[tilespmem:s7+$0xC170] =	vst v7  }
0xb6: {  	[tilespmem:s7+$0xC500] =	vst v8  }
0xb7: {  	[tilespmem:s7+$0xC510] =	vst v9  }
0xb8: {  	[tilespmem:s7+$0xC520] =	vst v10  }
0xb9: {  	[tilespmem:s7+$0xC530] =	vst v12  }
.Ltmp6:
0xba: {  	[tilespmem:s7+$0xC540] =	vst v13;
	(pc) =	sbr.rel @p1 .LBB2_9-.Ltmp6, $4  }
0xbb: {  	s17 =	smul.u32 $0xC00, s22;
	[tilespmem:s7+$0xC550] =	vst v14  }
0xbc: {  	[tilespmem:s7+$0xC560] =	vst v15  }
0xbd: {  	s22 =	sadd.s32 s6, s17;
	[tilespmem:s7+$0xC570] =	vst v16  }
0xbe: {  	[hbm4b:s22+s4] =	stream.linear.scatter [tilespmem:s29], [sflag:$0xD], $0x6000, $0x38;
	[tilespmem:$0x18100] =	vst v63  }
0xbf: {  	p1 =	sgt.u32 s21, $0x1367  }
0xc0: {  	s7 =	simm.s32 @!p1 $0x1  }
0xc1: {  	_ =	swait.ge @!p1 [sflag:s7], $0x80  }
0xc2: {  	s8 =	simm.s32 @!p1 $0x0;
	[sflag:s7] =	ssyncset.done @!p1 $0x0  }
0xc3: {  	s9 =	simm.s32 @!p1 $0x100;
	[sflag:s7] =	ssyncadd.s32 @!p1 $0xFFFFFF80;
	s7 =	simm.s32 @!p1 $0x20  }
0xc4: {  	[tilespmem:s9], [sflag:$0x3] =	stream.indirect.gather @!p1 [hbm4b:s1+s7], $0x80, s8, s7, $0xb8;
	[tilespmem:$0x18100] =	vst v63  }
0xc5: {  	s9 =	simm.s32 @!p1 $0x1100  }
0xc6: {  	[tilespmem:s9], [sflag:$0x4] =	stream.indirect.gather @!p1 [hbm4b:s1+s7], $0x80, s7, s7, $0xb8;
	[tilespmem:$0x18100] =	vst v63  }
0xc7: {  	s12 =	simm.s32 @!p1 $0x2100;
	s9 =	simm.s32 @!p1 $0x40  }
0xc8: {  	[tilespmem:s12], [sflag:$0x5] =	stream.indirect.gather @!p1 [hbm4b:s1+s7], $0x80, s9, s7, $0xb8;
	[tilespmem:$0x18100] =	vst v63  }
0xc9: {  	s9 =	simm.s32 @!p1 $0x60;
	s12 =	simm.s32 @!p1 $0x3100  }
0xca: {  	[tilespmem:s12], [sflag:$0x6] =	stream.indirect.gather @!p1 [hbm4b:s1+s7], $0x80, s9, s7, $0xb8;
	[tilespmem:$0x18100] =	vst v63  }
0xcb: {  	s7 =	sshll.u32 @!p1 s21, $0xA  }
0xcc: {  	s9 =	simm.s32 @!p1 $0x8100;
	s7 =	sadd.s32 @!p1 s7, s11  }
0xcd: {  	[tilespmem:s9], [sflag:$0xB] =	stream.linear.gather @!p1 [hbm4b:s7+s8], $0x2000, $0x38;
	[tilespmem:$0x18100] =	vst v63  }
0xce: {  	_ =	swait.ge [sflag:s30], $0x1000  }
0xcf: {  	[sflag:s30] =	ssyncset.done $0x0  }
0xd0: {  	[sflag:s30] =	ssyncadd.s32 $0xFFFFF000  }
0xd1: {  	_ =	swait.ge [sflag:s31], $0x1000  }
0xd2: {  	[sflag:s31] =	ssyncset.done $0x0  }
0xd3: {  	[sflag:s31] =	ssyncadd.s32 $0xFFFFF000  }
0xd4: {  	_ =	swait.ge [sflag:s0], $0x1000  }
0xd5: {  	[sflag:s0] =	ssyncset.done $0x0  }
0xd6: {  	[sflag:s0] =	ssyncadd.s32 $0xFFFFF000  }
0xd7: {  	_ =	swait.ge [sflag:s2], $0x1000  }
0xd8: {  	[sflag:s2] =	ssyncset.done $0x0  }
0xd9: {  	[sflag:s2] =	ssyncadd.s32 $0xFFFFF000  }
0xda: {  	p1 =	sgt.u32 s21, $0x1347;
	_ =	swait.ge [sflag:s13], $0x2000  }
0xdb: {  	s7 =	sshll.u32 @!p1 s21, $0x4;
	s8 =	simm.s32 @!p1 $0x0;
	[sflag:s13] =	ssyncset.done $0x0  }
0xdc: {  	s9 =	simm.s32 @!p1 $0x80;
	s7 =	sadd.s32 @!p1 s7, s10;
	[sflag:s13] =	ssyncadd.s32 $0xFFFFE000  }
0xdd: {  	[tilespmem:s9], [sflag:$0x2] =	stream.linear.gather @!p1 [hbm4b:s7+s8], $0x80, $0x38;
	[tilespmem:$0x18100] =	vst v63  }
0xde: {  	s7 =	simm.s32 @!p0 $0xE  }
0xdf: {  	_ =	swait.ge @!p0 [sflag:s7], $0x6000  }
0xe0: {  	[sflag:s7] =	ssyncset.done @!p0 $0x0  }
0xe1: {  	s8 =	simm.s32 $0x6100;
	[sflag:s7] =	ssyncadd.s32 @!p0 $0xFFFFA000  }
0xe2: {  	v0 =	vld [tilespmem:s8+$0x70]  }
0xe3: {  	v5 =	vld [tilespmem:s8+$0x60]  }
0xe4: {  	v4 =	vld [tilespmem:s8+$0x50]  }
0xe5: {  	v2 =	vld [tilespmem:s8+$0x40]  }
0xe6: {  	v7 =	vld [tilespmem:s8+$0x30]  }
0xe7: {  	v3 =	vld [tilespmem:s8+$0x20]  }
0xe8: {  	v1 =	vld [tilespmem:s8+$0x10]  }
0xe9: {  	v6 =	vld [tilespmem:s8+$0x0]  }
0xea: {  	v8 =	vld [tilespmem:s8+$0xFFFFE070]  }
0xeb: {  	v10 =	vld [tilespmem:s8+$0xFFFFE030]  }
0xec: {  	s9 =	simm.s32 $0xA100;
	v11 =	vld [tilespmem:s8+$0xFFFFE020]  }
0xed: {  	s14 =	simm.s32 $0x0;
	v13 =	vld [tilespmem:s9+$0x0]  }
0xee: {  	s7 =	smul.u32 $0x3000, s14;
	v14 =	vld [tilespmem:s8+$0xFFFFE060]  }
0xef: {  	s22 =	simm.s32 $0x0;
	v15 =	vld [tilespmem:s8+$0xFFFFE050]  }
0xf0: {  	s17 =	sand.u32 $0x380, s22;
	v16 =	vld [tilespmem:s8+$0xFFFFE040];
	s7 =	sshra.s32 s7, $0x2  }
0xf1: {  	v9 =	vld [tilespmem:s8+$0xFFFFE010];
	s7 =	sor.u32 s17, s7  }
0xf2: {  	v12 =	vld [tilespmem:s8+$0xFFFFE000];
	s14 =	sadd.s32 $0x12100, s7;
	[tilespmem:s7+$0x12100] =	vst v13  }
0xf3: {  	[tilespmem:s14+$0x70] =	vst v14  }
0xf4: {  	[tilespmem:s14+$0x60] =	vst v15  }
0xf5: {  	s12 =	simm.s32 $0x1;
	[tilespmem:s14+$0x50] =	vst v16  }
.LBB2_7:
0xf6: {  	[tilespmem:s14+$0x30] =	vst v11;
	s22 =	sadd.s32 $0x80, s22;
	s9 =	sadd.s32 $0x80, s9;
	s8 =	sadd.s32 $0x80, s8  }
0xf7: {  	p0 =	sne.s32 s12, $0x3F;
	s17 =	smov.u32 s12;
	s12 =	sadd.s32 $0x1, s12;
	[tilespmem:s14+$0x40] =	vst v10  }
0xf8: {  	[tilespmem:s14+$0x10] =	vst v12  }
0xf9: {  	[tilespmem:s14+$0x20] =	vst v9;
	s14 =	sadd.s32 $0x12500, s7  }
0xfa: {  	[tilespmem:s14+$0x70] =	vst v5  }
0xfb: {  	[tilespmem:s14+$0x40] =	vst v7  }
0xfc: {  	[tilespmem:s14+$0x60] =	vst v4  }
0xfd: {  	[tilespmem:s7+$0x12500] =	vst v8  }
0xfe: {  	[tilespmem:s14+$0x50] =	vst v2  }
0xff: {  	[tilespmem:s14+$0x10] =	vst v6  }
0x100: {  	[tilespmem:s14+$0x30] =	vst v3  }
0x101: {  	[tilespmem:s14+$0x20] =	vst v1  }
0x102: {  	[tilespmem:s7+$0x12900] =	vst v0  }
0x103: {  	v0 =	vld [tilespmem:s8+$0x70]  }
0x104: {  	v5 =	vld [tilespmem:s8+$0x60]  }
0x105: {  	v4 =	vld [tilespmem:s8+$0x50]  }
0x106: {  	v2 =	vld [tilespmem:s8+$0x40]  }
0x107: {  	v7 =	vld [tilespmem:s8+$0x30]  }
0x108: {  	v3 =	vld [tilespmem:s8+$0x20]  }
0x109: {  	v1 =	vld [tilespmem:s8+$0x10]  }
0x10a: {  	v6 =	vld [tilespmem:s8+$0x0]  }
0x10b: {  	v8 =	vld [tilespmem:s8+$0xFFFFE070]  }
0x10c: {  	v10 =	vld [tilespmem:s8+$0xFFFFE030]  }
0x10d: {  	v11 =	vld [tilespmem:s8+$0xFFFFE020]  }
0x10e: {  	v9 =	vld [tilespmem:s8+$0xFFFFE010]  }
0x10f: {  	s7 =	sshrl.u32 s17, $0x3;
	v13 =	vld [tilespmem:s9+$0x0]  }
0x110: {  	s7 =	smul.u32 $0x3000, s7;
	v14 =	vld [tilespmem:s8+$0xFFFFE060]  }
0x111: {  	v15 =	vld [tilespmem:s8+$0xFFFFE050]  }
0x112: {  	s14 =	sand.u32 $0x380, s22;
	s7 =	sshra.s32 s7, $0x2;
	v16 =	vld [tilespmem:s8+$0xFFFFE040]  }
.Ltmp7:
0x113: {  	s7 =	sor.u32 s14, s7;
	v12 =	vld [tilespmem:s8+$0xFFFFE000];
	(pc) =	sbr.rel @p0 .LBB2_7-.Ltmp7, $4  }
0x114: {  	s14 =	sadd.s32 $0x12100, s7;
	[tilespmem:s7+$0x12100] =	vst v13  }
0x115: {  	[tilespmem:s14+$0x70] =	vst v14  }
0x116: {  	[tilespmem:s14+$0x60] =	vst v15  }
0x117: {  	[tilespmem:s14+$0x50] =	vst v16  }
0x118: {  	[tilespmem:s14+$0x30] =	vst v11  }
0x119: {  	[tilespmem:s14+$0x40] =	vst v10  }
0x11a: {  	[tilespmem:s14+$0x10] =	vst v12  }
0x11b: {  	[tilespmem:s14+$0x20] =	vst v9;
	s8 =	sadd.s32 $0x12500, s7  }
0x11c: {  	[tilespmem:s8+$0x70] =	vst v5  }
0x11d: {  	[tilespmem:s8+$0x40] =	vst v7  }
0x11e: {  	[tilespmem:s8+$0x60] =	vst v4  }
0x11f: {  	[tilespmem:s7+$0x12500] =	vst v8  }
0x120: {  	[tilespmem:s8+$0x50] =	vst v2  }
.Ltmp8:
0x121: {  	[tilespmem:s8+$0x10] =	vst v6;
	(pc) =	sbr.rel .LBB2_9-.Ltmp8, $4  }
0x122: {  	s9 =	smul.u32 $0xC00, s21;
	[tilespmem:s8+$0x30] =	vst v3  }
0x123: {  	[tilespmem:s8+$0x20] =	vst v1  }
0x124: {  	s22 =	sadd.s32 s6, s9;
	[tilespmem:s7+$0x12900] =	vst v0  }
0x125: {  	[hbm4b:s22+s4] =	stream.linear.scatter [tilespmem:s16], [sflag:$0xE], $0x6000, $0x38;
	[tilespmem:$0x18100] =	vst v63  }
.LBB2_11:
0x126: {  	_ =	sfence.sel $0x180000  }
0x127: {  	[bflag:$0x0] =	sbarrier.arrive $0xFFFF  }
0x128: {  	_ =	strace $0x90000047  }
0x129: {  	s0 =	stileid.u32;
	[bflag:$0x2] =	sbarrier.arrive $0xFFFF  }
0x12a: {  	p0 =	sne.s32 s0, $0x0;
	s0 =	rddreg [dreg:$0x3]  }
0x12b: {  	s0 =	sadd.s32 @!p0 $0x100000, s0  }
0x12c: {  	[sflag:s0] =	ssyncadd.tile.s32 @!p0 $0x1;
	_ =	shalt  }
.Lfunc_end2:
_tile_overlayer_lowered:
.L_overlay_start_2:
0x12d: {  	(tag) =	ssettag $0x2  }
0x12e: {  	s0 =	rddreg [dreg:$0x0];
	s2 =	stileid.u32  }
0x12f: {  	s1 =	rddreg [dreg:$0x1];
	p0 =	sne.s32 s2, $0x0  }
0x130: {  	s3 =	rddreg [dreg:$0x2];
	[bflag:$0x3] =	sbarrier.arrive $0xFFFF;
	s2 =	simm.s32 @!p0 $0x1C0F  }
0x131: {  	[timem:s3], [sflag:s2] =	dma.local @!p0 [hbm:s0], s1  }
0x132: {  	s0 =	simm.s32 @!p0 $0xF  }
0x133: {  	_ =	swait.ge @!p0 [sflag:s0], s1  }
0x134: {  	s1 =	ssub.s32 @!p0 $0x0, s1;
	[sflag:s0] =	ssyncset.done @!p0 $0x0  }
0x135: {  	[sflag:s0] =	ssyncadd.s32 @!p0 s1  }
0x136: {  	[bflag:$0x3] =	sbarrier.arrive $0xFFFF  }
0x137: {  	_ =	shalt  }

</sc_bundles>
